<compile_context>
chip_gen: v7x
topology: tpu7x:2x2x1
jax: 0.10.2.dev20260603
libtpu: 0.0.44.dev20260713+nightly
codegen_flags: <defaults>
</compile_context>

<pallas_src>
import functools

import jax
import jax.numpy as jnp
from jax import lax
from jax.experimental import pallas as pl
from jax.experimental.pallas import tpu as pltpu
from jax.experimental.pallas import tpu_sc as plsc

NC = 2
NS = 16
CHUNK = 128


def _sc_mesh():
    return plsc.VectorSubcoreMesh(
        core_axis_name="c", subcore_axis_name="s", num_cores=NC, num_subcores=NS
    )


DEG_W = 8


def _deg_body(pt, acc_rows, n, col2d, ones_hbm, zeros_hbm, out_hbm,
              degacc, cidx_v, ones_v, sem):
    c = lax.axis_index("c")
    s = lax.axis_index("s")
    tid = c * NS + s
    zrows = acc_rows // NS
    pltpu.sync_copy(zeros_hbm, degacc.at[pl.ds(s * zrows, zrows)])
    pltpu.sync_copy(ones_hbm, ones_v)
    plsc.subcore_barrier()
    base = tid * pt

    def group(g, carry):
        pltpu.sync_copy(col2d.at[pl.ds(base + g * GRP, GRP)], cidx_v)
        descs = [pltpu.async_copy(ones_v, degacc.at[cidx_v.at[i]], sem, add=True)
                 for i in range(GRP)]
        for d in descs:
            d.wait()
        return carry

    lax.fori_loop(0, pt // GRP, group, 0)
    plsc.subcore_barrier()
    pltpu.sync_copy(degacc.at[pl.ds(s * zrows, zrows)],
                    out_hbm.at[c, pl.ds(s * zrows, zrows)])


GRP = 8


C3 = 128
NBUF = 2
AHEAD = NBUF - 1


def _acc_body(p0, p1, acc_rows, n, f, row2d, col2d, tmp_hbm, zeros_hbm, out_hbm,
              acc, ridx_v, cidx_v, b0, b1, sem_g, sem_s, sem_i):
    bufs = (b0, b1)
    c = lax.axis_index("c")
    s = lax.axis_index("s")
    zrows = acc_rows // NS
    for k in range(zrows // C3):
        pltpu.sync_copy(zeros_hbm, acc.at[pl.ds(s * zrows + k * C3, C3)])
    plsc.subcore_barrier()

    def scatter_wait():
        pltpu.make_async_copy(zeros_hbm, bufs[0], sem_s).wait()

    def fire_g(idxbuf, row, buf):
        pltpu.async_copy(tmp_hbm.at[ridx_v.at[idxbuf, row]], bufs[buf], sem_g)

    def pipe(ngroups, base):
        def idx_load(g, gb, wait):
            off = base + g * GRP
            a = pltpu.make_async_copy(row2d.at[pl.ds(off, GRP)],
                                      ridx_v.at[gb], sem_i)
            b = pltpu.make_async_copy(col2d.at[pl.ds(off, GRP)],
                                      cidx_v.at[gb], sem_i)
            if wait:
                a.wait()
                b.wait()
            else:
                a.start()
                b.start()

        pltpu.sync_copy(row2d.at[pl.ds(base, GRP)], ridx_v.at[0])
        pltpu.sync_copy(col2d.at[pl.ds(base, GRP)], cidx_v.at[0])
        for j in range(AHEAD):
            fire_g(0, j, j)

        def group(g, carry):
            gb = lax.rem(g, 2)
            gb1 = lax.rem(g + 1, 2)

            for k in range(GRP):
                i_next = k + AHEAD
                if k == 0:
                    @pl.when(g > 0)
                    def _():
                        scatter_wait()

                    @pl.when(g + 1 < ngroups)
                    def _():
                        idx_load(g + 1, gb1, wait=False)
                else:
                    scatter_wait()
                if k == GRP - AHEAD:
                    @pl.when(g + 1 < ngroups)
                    def _():
                        idx_load(g + 1, gb1, wait=True)
                if i_next < GRP:
                    fire_g(gb, i_next, i_next % NBUF)
                else:
                    @pl.when(g + 1 < ngroups)
                    def _():
                        fire_g(gb1, i_next - GRP, i_next % NBUF)
                pltpu.make_async_copy(tmp_hbm.at[ridx_v.at[gb, k]],
                                      bufs[k % NBUF], sem_g).wait()
                pltpu.async_copy(bufs[k % NBUF], acc.at[cidx_v.at[gb, k]],
                                 sem_s, add=True)
            return carry

        lax.fori_loop(0, ngroups, group, 0)
        scatter_wait()

    if p0 > 0:
        @pl.when(c == 0)
        def _():
            pipe(p0 // GRP, s * p0)

    if p1 > 0:
        @pl.when(c == 1)
        def _():
            pipe(p1 // GRP, NS * p0 + s * p1)

    plsc.subcore_barrier()
    pltpu.sync_copy(acc.at[pl.ds(s * zrows, zrows)],
                    out_hbm.at[c, pl.ds(s * zrows, zrows)])


def _enc_body(x_ref, w_ref, u_ref, d0_ref, d1_ref, tmp_ref, dis_ref, wsn_ref):
    @pl.when(pl.program_id(0) == 0)
    def _():
        wm = w_ref[...]
        uc = u_ref[...]
        v = lax.dot_general(wm, uc, (((0,), (0,)), ((), ())),
                            preferred_element_type=jnp.float32)
        v = v / (jnp.sqrt(jnp.sum(v * v)) + 1e-12)
        wv = lax.dot_general(wm, v, (((1,), (0,)), ((), ())),
                             preferred_element_type=jnp.float32)
        nwv = jnp.sqrt(jnp.sum(wv * wv))
        sigma = jnp.sum((wv / (nwv + 1e-12)) * wv)
        wsn_ref[...] = wm / sigma

    h = jnp.dot(x_ref[...], wsn_ref[...], preferred_element_type=jnp.float32)
    deg = d0_ref[...] + d1_ref[...] + 1.0
    dis = lax.rsqrt(deg)
    dis_ref[...] = dis
    tmp_ref[...] = h * dis


def _out_body(tmp_ref, a0_ref, a1_ref, dis_ref, b_ref, o_ref):
    o_ref[...] = ((tmp_ref[...] + a0_ref[0] + a1_ref[0]) * dis_ref[...]
                  + b_ref[...])


def kernel(x, edge_index, W, bias, u):
    n, f_in = x.shape
    f_out = W.shape[1]
    e = edge_index.shape[1]
    assert n % NS == 0

    ntiles = NC * NS
    e_pad = -(-e // (ntiles * CHUNK * 8)) * (ntiles * CHUNK * 8)
    pt = e_pad // (ntiles * CHUNK)
    acc_rows = (n // (NS * CHUNK) + 1) * NS * CHUNK

    row = edge_index[0]
    col = edge_index[1]
    pad = e_pad - e
    rowp = jnp.concatenate([row, jnp.zeros((pad,), row.dtype)])
    colp = jnp.concatenate([col, jnp.full((pad,), n, col.dtype)])
    row2d = rowp.reshape(e_pad // CHUNK, CHUNK)
    col2d = colp.reshape(e_pad // CHUNK, CHUNK)

    ones8 = jnp.ones((CHUNK, DEG_W), jnp.float32)
    zeros8 = jnp.zeros((acc_rows // NS, DEG_W), jnp.float32)
    zeros128 = jnp.zeros((CHUNK, f_out), jnp.float32)

    degout = pl.kernel(
        functools.partial(_deg_body, pt, acc_rows, n),
        out_type=jax.ShapeDtypeStruct((NC, acc_rows, DEG_W), jnp.float32),
        mesh=_sc_mesh(),
        scratch_types=[
            pltpu.VMEM_SHARED((acc_rows, DEG_W), jnp.float32),
            pltpu.VMEM((GRP, CHUNK), jnp.int32),
            pltpu.VMEM((CHUNK, DEG_W), jnp.float32),
            pltpu.SemaphoreType.DMA,
        ],
        compiler_params=pltpu.CompilerParams(use_tc_tiling_on_sc=False),
    )(col2d, ones8, zeros8)

    d0 = degout[0, :n, 0:1]
    d1 = degout[1, :n, 0:1]

    br = 2000 if n % 2000 == 0 else n // 8
    tmp, dis = pl.pallas_call(
        _enc_body,
        grid=(n // br,),
        in_specs=[
            pl.BlockSpec((br, f_in), lambda i: (i, 0)),
            pl.BlockSpec((f_in, f_out), lambda i: (0, 0)),
            pl.BlockSpec((f_in, 1), lambda i: (0, 0)),
            pl.BlockSpec((br, 1), lambda i: (i, 0)),
            pl.BlockSpec((br, 1), lambda i: (i, 0)),
        ],
        out_specs=[
            pl.BlockSpec((br, f_out), lambda i: (i, 0)),
            pl.BlockSpec((br, 1), lambda i: (i, 0)),
        ],
        out_shape=[
            jax.ShapeDtypeStruct((n, f_out), jnp.float32),
            jax.ShapeDtypeStruct((n, 1), jnp.float32),
        ],
        scratch_shapes=[pltpu.VMEM((f_in, f_out), jnp.float32)],
    )(x, W, u.reshape(f_in, 1), d0, d1)

    row3 = rowp.reshape(e_pad // C3, C3)
    col3 = colp.reshape(e_pad // C3, C3)
    zeros64 = jnp.zeros((C3, f_out), jnp.float32)
    pt3 = e_pad // (ntiles * C3)
    p0 = 2 * pt3 * 8 // 10 // GRP * GRP
    p1 = 2 * pt3 - p0
    accout = pl.kernel(
        functools.partial(_acc_body, p0, p1, acc_rows, n, f_out),
        out_type=jax.ShapeDtypeStruct((NC, acc_rows, f_out), jnp.float32),
        mesh=_sc_mesh(),
        scratch_types=[
            pltpu.VMEM_SHARED((acc_rows, f_out), jnp.float32),
            pltpu.VMEM((2, GRP, C3), jnp.int32),
            pltpu.VMEM((2, GRP, C3), jnp.int32),
            pltpu.VMEM((C3, f_out), jnp.float32),
            pltpu.VMEM((C3, f_out), jnp.float32),
            pltpu.SemaphoreType.DMA,
            pltpu.SemaphoreType.DMA,
            pltpu.SemaphoreType.DMA,
        ],
    )(row3, col3, tmp, zeros64)

    out = pl.pallas_call(
        _out_body,
        grid=(n // br,),
        in_specs=[
            pl.BlockSpec((br, f_out), lambda i: (i, 0)),
            pl.BlockSpec((1, br, f_out), lambda i: (0, i, 0)),
            pl.BlockSpec((1, br, f_out), lambda i: (1, i, 0)),
            pl.BlockSpec((br, 1), lambda i: (i, 0)),
            pl.BlockSpec((1, f_out), lambda i: (0, 0)),
        ],
        out_specs=pl.BlockSpec((br, f_out), lambda i: (i, 0)),
        out_shape=jax.ShapeDtypeStruct((n, f_out), jnp.float32),
    )(tmp, accout, accout, dis, bias.reshape(1, f_out))

    return out

# --- scband reference (transcript-rebuilt; emitter-appended) ---
"""Pipeline reference for scband-encoder-6081673691170 (READ-ONLY COPY).

The authoritative reference and input builder live on the scoring server;
editing this copy changes nothing except your own understanding.
"""

import jax, jax.numpy as jnp
import numpy as np

N, E, F_IN, F_OUT = 10000, 320000, 128, 128

def _l2norm(v, eps=1e-12):
    return v / (jnp.linalg.norm(v) + eps)

def setup_inputs(seed: int = 0):
    key = jax.random.key(seed)
    k1, k2, k3, k4 = jax.random.split(key, 4)
    x = jax.random.normal(k1, (N, F_IN), dtype=jnp.float32)
    edge_index = jax.random.randint(k2, (2, E), 0, N, dtype=jnp.int32)
    limit = float(np.sqrt(6.0 / (F_IN + F_OUT)))
    W = jax.random.uniform(k3, (F_IN, F_OUT), minval=-limit, maxval=limit, dtype=jnp.float32)
    bias = jnp.zeros((F_OUT,), dtype=jnp.float32)
    u = jax.random.normal(k4, (F_IN,), dtype=jnp.float32)
    u = _l2norm(u)
    return {"x": x, "edge_index": edge_index, "W": W, "bias": bias, "u": u}

def reference(x, edge_index, W, bias, u):
    # Encoder(base_model='gcn') -> GCN -> spectral_norm(GCNConv)
    # spectral norm: one power-iteration step (as torch.nn.utils.spectral_norm does per forward)
    v = _l2norm(W.T @ u)
    u2 = _l2norm(W @ v)
    sigma = u2 @ (W @ v)
    W_sn = W / sigma
    # GCNConv with added self-loops and symmetric normalization
    n = x.shape[0]
    loop = jnp.arange(n, dtype=edge_index.dtype)
    row = jnp.concatenate([edge_index[0], loop])  # source nodes
    col = jnp.concatenate([edge_index[1], loop])  # destination nodes
    deg = jnp.zeros((n,), dtype=x.dtype).at[col].add(1.0)
    dis = jax.lax.rsqrt(deg)  # deg >= 1 because of self-loops
    norm = dis[row] * dis[col]
    h = x @ W_sn
    msg = h[row] * norm[:, None]
    out = jnp.zeros((n, W.shape[1]), dtype=x.dtype).at[col].add(msg)
    return out + bias

if __name__ == "__main__":
    import jax
    _d = setup_inputs()
    print(jax.jit(kernel)(*tuple(_d.values())))

</pallas_src>

<mosaic_0001>
#map = affine_map<(d0, d1) -> (0, 0)>
#map1 = affine_map<(d0, d1) -> (0, 0, 0)>
module attributes {stable_mosaic.version = 14 : i64} {
  func.func @_acc_body(%arg0: i32, %arg1: i32, %arg2: memref<2560x128xi32, #tpu.memory_space<hbm>>, %arg3: memref<2560x128xi32, #tpu.memory_space<hbm>>, %arg4: memref<10000x128xf32, #tpu.memory_space<hbm>>, %arg5: memref<128x128xf32, #tpu.memory_space<hbm>>, %arg6: memref<2x10240x128xf32, #tpu.memory_space<hbm>>, %arg7: memref<10240x128xf32, #tpu.memory_space<vmem_shared>>, %arg8: memref<2x8x128xi32, #tpu.memory_space<vmem>>, %arg9: memref<2x8x128xi32, #tpu.memory_space<vmem>>, %arg10: memref<128x128xf32, #tpu.memory_space<vmem>>, %arg11: memref<128x128xf32, #tpu.memory_space<vmem>>, %arg12: memref<!tpu.dma_semaphore, #tpu.memory_space<semaphore_mem>>, %arg13: memref<!tpu.dma_semaphore, #tpu.memory_space<semaphore_mem>>, %arg14: memref<!tpu.dma_semaphore, #tpu.memory_space<semaphore_mem>>) attributes {dimension_semantics = [#tpu.dimension_semantics<core_parallel>, #tpu.dimension_semantics<subcore_parallel>], iteration_bounds = array<i64: 2, 16>, scalar_prefetch = 0 : i64, scratch_operands = 8 : i64, tpu.core_type = #tpu.core_type<sc_vector_subcore>, window_params = [{transform_indices = #map}, {transform_indices = #map}, {transform_indices = #map}, {transform_indices = #map}, {transform_indices = #map1}]} {
    %mul3A = arith.constant 640 : i32
    %mul3A_0 = arith.muli %arg1, %mul3A : i32
    %add3A = arith.constant 0 : i32
    %add3A_1 = arith.addi %mul3A_0, %add3A : i32
    "tpu.region"() ({
      %run_scoped3A = tpu.sem_alloc : memref<!tpu.dma_semaphore, #tpu.memory_space<semaphore_mem>>
      %dma_start3A = arith.constant 0 : i32
      %dma_start3A_30 = tpu.memref_slice %arg7[%add3A_1, %dma_start3A] : memref<10240x128xf32, #tpu.memory_space<vmem_shared>> -> memref<128x128xf32, #tpu.memory_space<vmem_shared>>
      tpu.enqueue_dma source(%arg5 : memref<128x128xf32, #tpu.memory_space<hbm>>) target(%dma_start3A_30 : memref<128x128xf32, #tpu.memory_space<vmem_shared>>) target_semaphore(%run_scoped3A : memref<!tpu.dma_semaphore, #tpu.memory_space<semaphore_mem>>)
      %dma_wait3A = arith.constant 0 : i32
      %dma_wait3A_31 = tpu.memref_slice %arg7[%add3A_1, %dma_wait3A] : memref<10240x128xf32, #tpu.memory_space<vmem_shared>> -> memref<128x128xf32, #tpu.memory_space<vmem_shared>>
      tpu.wait_dma2 semaphore(%run_scoped3A : memref<!tpu.dma_semaphore, #tpu.memory_space<semaphore_mem>>) src(%arg5 : memref<128x128xf32, #tpu.memory_space<hbm>>) dst(%dma_wait3A_31 : memref<128x128xf32, #tpu.memory_space<vmem_shared>>)
      tpu.yield
    }) : () -> ()
    %mul3A_2 = arith.constant 640 : i32
    %mul3A_3 = arith.muli %arg1, %mul3A_2 : i32
    %add3A_4 = arith.constant 128 : i32
    %add3A_5 = arith.addi %mul3A_3, %add3A_4 : i32
    "tpu.region"() ({
      %run_scoped3A = tpu.sem_alloc : memref<!tpu.dma_semaphore, #tpu.memory_space<semaphore_mem>>
      %dma_start3A = arith.constant 0 : i32
      %dma_start3A_30 = tpu.memref_slice %arg7[%add3A_5, %dma_start3A] : memref<10240x128xf32, #tpu.memory_space<vmem_shared>> -> memref<128x128xf32, #tpu.memory_space<vmem_shared>>
      tpu.enqueue_dma source(%arg5 : memref<128x128xf32, #tpu.memory_space<hbm>>) target(%dma_start3A_30 : memref<128x128xf32, #tpu.memory_space<vmem_shared>>) target_semaphore(%run_scoped3A : memref<!tpu.dma_semaphore, #tpu.memory_space<semaphore_mem>>)
      %dma_wait3A = arith.constant 0 : i32
      %dma_wait3A_31 = tpu.memref_slice %arg7[%add3A_5, %dma_wait3A] : memref<10240x128xf32, #tpu.memory_space<vmem_shared>> -> memref<128x128xf32, #tpu.memory_space<vmem_shared>>
      tpu.wait_dma2 semaphore(%run_scoped3A : memref<!tpu.dma_semaphore, #tpu.memory_space<semaphore_mem>>) src(%arg5 : memref<128x128xf32, #tpu.memory_space<hbm>>) dst(%dma_wait3A_31 : memref<128x128xf32, #tpu.memory_space<vmem_shared>>)
      tpu.yield
    }) : () -> ()
    %mul3A_6 = arith.constant 640 : i32
    %mul3A_7 = arith.muli %arg1, %mul3A_6 : i32
    %add3A_8 = arith.constant 256 : i32
    %add3A_9 = arith.addi %mul3A_7, %add3A_8 : i32
    "tpu.region"() ({
      %run_scoped3A = tpu.sem_alloc : memref<!tpu.dma_semaphore, #tpu.memory_space<semaphore_mem>>
      %dma_start3A = arith.constant 0 : i32
      %dma_start3A_30 = tpu.memref_slice %arg7[%add3A_9, %dma_start3A] : memref<10240x128xf32, #tpu.memory_space<vmem_shared>> -> memref<128x128xf32, #tpu.memory_space<vmem_shared>>
      tpu.enqueue_dma source(%arg5 : memref<128x128xf32, #tpu.memory_space<hbm>>) target(%dma_start3A_30 : memref<128x128xf32, #tpu.memory_space<vmem_shared>>) target_semaphore(%run_scoped3A : memref<!tpu.dma_semaphore, #tpu.memory_space<semaphore_mem>>)
      %dma_wait3A = arith.constant 0 : i32
      %dma_wait3A_31 = tpu.memref_slice %arg7[%add3A_9, %dma_wait3A] : memref<10240x128xf32, #tpu.memory_space<vmem_shared>> -> memref<128x128xf32, #tpu.memory_space<vmem_shared>>
      tpu.wait_dma2 semaphore(%run_scoped3A : memref<!tpu.dma_semaphore, #tpu.memory_space<semaphore_mem>>) src(%arg5 : memref<128x128xf32, #tpu.memory_space<hbm>>) dst(%dma_wait3A_31 : memref<128x128xf32, #tpu.memory_space<vmem_shared>>)
      tpu.yield
    }) : () -> ()
    %mul3A_10 = arith.constant 640 : i32
    %mul3A_11 = arith.muli %arg1, %mul3A_10 : i32
    %add3A_12 = arith.constant 384 : i32
    %add3A_13 = arith.addi %mul3A_11, %add3A_12 : i32
    "tpu.region"() ({
      %run_scoped3A = tpu.sem_alloc : memref<!tpu.dma_semaphore, #tpu.memory_space<semaphore_mem>>
      %dma_start3A = arith.constant 0 : i32
      %dma_start3A_30 = tpu.memref_slice %arg7[%add3A_13, %dma_start3A] : memref<10240x128xf32, #tpu.memory_space<vmem_shared>> -> memref<128x128xf32, #tpu.memory_space<vmem_shared>>
      tpu.enqueue_dma source(%arg5 : memref<128x128xf32, #tpu.memory_space<hbm>>) target(%dma_start3A_30 : memref<128x128xf32, #tpu.memory_space<vmem_shared>>) target_semaphore(%run_scoped3A : memref<!tpu.dma_semaphore, #tpu.memory_space<semaphore_mem>>)
      %dma_wait3A = arith.constant 0 : i32
      %dma_wait3A_31 = tpu.memref_slice %arg7[%add3A_13, %dma_wait3A] : memref<10240x128xf32, #tpu.memory_space<vmem_shared>> -> memref<128x128xf32, #tpu.memory_space<vmem_shared>>
      tpu.wait_dma2 semaphore(%run_scoped3A : memref<!tpu.dma_semaphore, #tpu.memory_space<semaphore_mem>>) src(%arg5 : memref<128x128xf32, #tpu.memory_space<hbm>>) dst(%dma_wait3A_31 : memref<128x128xf32, #tpu.memory_space<vmem_shared>>)
      tpu.yield
    }) : () -> ()
    %mul3A_14 = arith.constant 640 : i32
    %mul3A_15 = arith.muli %arg1, %mul3A_14 : i32
    %add3A_16 = arith.constant 512 : i32
    %add3A_17 = arith.addi %mul3A_15, %add3A_16 : i32
    "tpu.region"() ({
      %run_scoped3A = tpu.sem_alloc : memref<!tpu.dma_semaphore, #tpu.memory_space<semaphore_mem>>
      %dma_start3A = arith.constant 0 : i32
      %dma_start3A_30 = tpu.memref_slice %arg7[%add3A_17, %dma_start3A] : memref<10240x128xf32, #tpu.memory_space<vmem_shared>> -> memref<128x128xf32, #tpu.memory_space<vmem_shared>>
      tpu.enqueue_dma source(%arg5 : memref<128x128xf32, #tpu.memory_space<hbm>>) target(%dma_start3A_30 : memref<128x128xf32, #tpu.memory_space<vmem_shared>>) target_semaphore(%run_scoped3A : memref<!tpu.dma_semaphore, #tpu.memory_space<semaphore_mem>>)
      %dma_wait3A = arith.constant 0 : i32
      %dma_wait3A_31 = tpu.memref_slice %arg7[%add3A_17, %dma_wait3A] : memref<10240x128xf32, #tpu.memory_space<vmem_shared>> -> memref<128x128xf32, #tpu.memory_space<vmem_shared>>
      tpu.wait_dma2 semaphore(%run_scoped3A : memref<!tpu.dma_semaphore, #tpu.memory_space<semaphore_mem>>) src(%arg5 : memref<128x128xf32, #tpu.memory_space<hbm>>) dst(%dma_wait3A_31 : memref<128x128xf32, #tpu.memory_space<vmem_shared>>)
      tpu.yield
    }) : () -> ()
    %barrier3A = arith.constant 0 : index
    tpu.barrier barrier_id(%barrier3A)
    %eq3A = arith.constant 0 : i32
    %eq3A_18 = arith.cmpi eq, %arg0, %eq3A : i32
    %convert_element_type3A = arith.extui %eq3A_18 : i1 to i32
    %cond3A = arith.constant 0 : i32
    %cond3A_19 = arith.cmpi ne, %convert_element_type3A, %cond3A : i32
    scf.if %cond3A_19 {
      %mul3A_30 = arith.constant 128 : i32
      %mul3A_31 = arith.muli %arg1, %mul3A_30 : i32
      %run_scoped3A = arith.constant 0 : i32
      "tpu.region"() ({
        %run_scoped3A_45 = tpu.sem_alloc : memref<!tpu.dma_semaphore, #tpu.memory_space<semaphore_mem>>
        %dma_start3A_46 = arith.constant 0 : i32
        %dma_start3A_47 = arith.constant 0 : i32
        %dma_start3A_48 = tpu.memref_slice %arg8[%run_scoped3A, %dma_start3A_46, %dma_start3A_47] : memref<2x8x128xi32, #tpu.memory_space<vmem>> -> memref<1x8x128xi32, #tpu.memory_space<vmem>>
        %dma_start3A_49 = tpu.memref_squeeze %dma_start3A_48 : memref<1x8x128xi32, #tpu.memory_space<vmem>> -> memref<8x128xi32, #tpu.memory_space<vmem>>
        %dma_start3A_50 = arith.constant 0 : i32
        %dma_start3A_51 = tpu.memref_slice %arg2[%mul3A_31, %dma_start3A_50] : memref<2560x128xi32, #tpu.memory_space<hbm>> -> memref<8x128xi32, #tpu.memory_space<hbm>>
        %dma_start3A_52 = arith.constant 0 : i32
        %dma_start3A_53 = arith.constant 0 : i32
        %dma_start3A_54 = tpu.memref_slice %arg8[%run_scoped3A, %dma_start3A_52, %dma_start3A_53] : memref<2x8x128xi32, #tpu.memory_space<vmem>> -> memref<1x8x128xi32, #tpu.memory_space<vmem>>
        %dma_start3A_55 = tpu.memref_squeeze %dma_start3A_54 : memref<1x8x128xi32, #tpu.memory_space<vmem>> -> memref<8x128xi32, #tpu.memory_space<vmem>>
        %dma_start3A_56 = arith.constant 0 : i32
        %dma_start3A_57 = tpu.memref_slice %arg2[%mul3A_31, %dma_start3A_56] : memref<2560x128xi32, #tpu.memory_space<hbm>> -> memref<8x128xi32, #tpu.memory_space<hbm>>
        tpu.enqueue_dma source(%dma_start3A_57 : memref<8x128xi32, #tpu.memory_space<hbm>>) target(%dma_start3A_55 : memref<8x128xi32, #tpu.memory_space<vmem>>) target_semaphore(%run_scoped3A_45 : memref<!tpu.dma_semaphore, #tpu.memory_space<semaphore_mem>>)
        %dma_wait3A = arith.constant 0 : i32
        %dma_wait3A_58 = arith.constant 0 : i32
        %dma_wait3A_59 = tpu.memref_slice %arg8[%run_scoped3A, %dma_wait3A, %dma_wait3A_58] : memref<2x8x128xi32, #tpu.memory_space<vmem>> -> memref<1x8x128xi32, #tpu.memory_space<vmem>>
        %dma_wait3A_60 = tpu.memref_squeeze %dma_wait3A_59 : memref<1x8x128xi32, #tpu.memory_space<vmem>> -> memref<8x128xi32, #tpu.memory_space<vmem>>
        %dma_wait3A_61 = arith.constant 0 : i32
        %dma_wait3A_62 = tpu.memref_slice %arg2[%mul3A_31, %dma_wait3A_61] : memref<2560x128xi32, #tpu.memory_space<hbm>> -> memref<8x128xi32, #tpu.memory_space<hbm>>
        %dma_wait3A_63 = arith.constant 0 : i32
        %dma_wait3A_64 = arith.constant 0 : i32
        %dma_wait3A_65 = tpu.memref_slice %arg8[%run_scoped3A, %dma_wait3A_63, %dma_wait3A_64] : memref<2x8x128xi32, #tpu.memory_space<vmem>> -> memref<1x8x128xi32, #tpu.memory_space<vmem>>
        %dma_wait3A_66 = tpu.memref_squeeze %dma_wait3A_65 : memref<1x8x128xi32, #tpu.memory_space<vmem>> -> memref<8x128xi32, #tpu.memory_space<vmem>>
        %dma_wait3A_67 = arith.constant 0 : i32
        %dma_wait3A_68 = tpu.memref_slice %arg2[%mul3A_31, %dma_wait3A_67] : memref<2560x128xi32, #tpu.memory_space<hbm>> -> memref<8x128xi32, #tpu.memory_space<hbm>>
        tpu.wait_dma2 semaphore(%run_scoped3A_45 : memref<!tpu.dma_semaphore, #tpu.memory_space<semaphore_mem>>) src(%dma_wait3A_68 : memref<8x128xi32, #tpu.memory_space<hbm>>) dst(%dma_wait3A_66 : memref<8x128xi32, #tpu.memory_space<vmem>>)
        tpu.yield
      }) : () -> ()
      %run_scoped3A_32 = arith.constant 0 : i32
      "tpu.region"() ({
        %run_scoped3A_45 = tpu.sem_alloc : memref<!tpu.dma_semaphore, #tpu.memory_space<semaphore_mem>>
        %dma_start3A_46 = arith.constant 0 : i32
        %dma_start3A_47 = arith.constant 0 : i32
        %dma_start3A_48 = tpu.memref_slice %arg9[%run_scoped3A_32, %dma_start3A_46, %dma_start3A_47] : memref<2x8x128xi32, #tpu.memory_space<vmem>> -> memref<1x8x128xi32, #tpu.memory_space<vmem>>
        %dma_start3A_49 = tpu.memref_squeeze %dma_start3A_48 : memref<1x8x128xi32, #tpu.memory_space<vmem>> -> memref<8x128xi32, #tpu.memory_space<vmem>>
        %dma_start3A_50 = arith.constant 0 : i32
        %dma_start3A_51 = tpu.memref_slice %arg3[%mul3A_31, %dma_start3A_50] : memref<2560x128xi32, #tpu.memory_space<hbm>> -> memref<8x128xi32, #tpu.memory_space<hbm>>
        %dma_start3A_52 = arith.constant 0 : i32
        %dma_start3A_53 = arith.constant 0 : i32
        %dma_start3A_54 = tpu.memref_slice %arg9[%run_scoped3A_32, %dma_start3A_52, %dma_start3A_53] : memref<2x8x128xi32, #tpu.memory_space<vmem>> -> memref<1x8x128xi32, #tpu.memory_space<vmem>>
        %dma_start3A_55 = tpu.memref_squeeze %dma_start3A_54 : memref<1x8x128xi32, #tpu.memory_space<vmem>> -> memref<8x128xi32, #tpu.memory_space<vmem>>
        %dma_start3A_56 = arith.constant 0 : i32
        %dma_start3A_57 = tpu.memref_slice %arg3[%mul3A_31, %dma_start3A_56] : memref<2560x128xi32, #tpu.memory_space<hbm>> -> memref<8x128xi32, #tpu.memory_space<hbm>>
        tpu.enqueue_dma source(%dma_start3A_57 : memref<8x128xi32, #tpu.memory_space<hbm>>) target(%dma_start3A_55 : memref<8x128xi32, #tpu.memory_space<vmem>>) target_semaphore(%run_scoped3A_45 : memref<!tpu.dma_semaphore, #tpu.memory_space<semaphore_mem>>)
        %dma_wait3A = arith.constant 0 : i32
        %dma_wait3A_58 = arith.constant 0 : i32
        %dma_wait3A_59 = tpu.memref_slice %arg9[%run_scoped3A_32, %dma_wait3A, %dma_wait3A_58] : memref<2x8x128xi32, #tpu.memory_space<vmem>> -> memref<1x8x128xi32, #tpu.memory_space<vmem>>
        %dma_wait3A_60 = tpu.memref_squeeze %dma_wait3A_59 : memref<1x8x128xi32, #tpu.memory_space<vmem>> -> memref<8x128xi32, #tpu.memory_space<vmem>>
        %dma_wait3A_61 = arith.constant 0 : i32
        %dma_wait3A_62 = tpu.memref_slice %arg3[%mul3A_31, %dma_wait3A_61] : memref<2560x128xi32, #tpu.memory_space<hbm>> -> memref<8x128xi32, #tpu.memory_space<hbm>>
        %dma_wait3A_63 = arith.constant 0 : i32
        %dma_wait3A_64 = arith.constant 0 : i32
        %dma_wait3A_65 = tpu.memref_slice %arg9[%run_scoped3A_32, %dma_wait3A_63, %dma_wait3A_64] : memref<2x8x128xi32, #tpu.memory_space<vmem>> -> memref<1x8x128xi32, #tpu.memory_space<vmem>>
        %dma_wait3A_66 = tpu.memref_squeeze %dma_wait3A_65 : memref<1x8x128xi32, #tpu.memory_space<vmem>> -> memref<8x128xi32, #tpu.memory_space<vmem>>
        %dma_wait3A_67 = arith.constant 0 : i32
        %dma_wait3A_68 = tpu.memref_slice %arg3[%mul3A_31, %dma_wait3A_67] : memref<2560x128xi32, #tpu.memory_space<hbm>> -> memref<8x128xi32, #tpu.memory_space<hbm>>
        tpu.wait_dma2 semaphore(%run_scoped3A_45 : memref<!tpu.dma_semaphore, #tpu.memory_space<semaphore_mem>>) src(%dma_wait3A_68 : memref<8x128xi32, #tpu.memory_space<hbm>>) dst(%dma_wait3A_66 : memref<8x128xi32, #tpu.memory_space<vmem>>)
        tpu.yield
      }) : () -> ()
      %dma_start3A = arith.constant 0 : i32
      %dma_start3A_33 = arith.constant 0 : i32
      %dma_start3A_34 = arith.constant 0 : i32
      %dma_start3A_35 = tpu.memref_slice %arg8[%dma_start3A, %dma_start3A_33, %dma_start3A_34] : memref<2x8x128xi32, #tpu.memory_space<vmem>> -> memref<1x1x128xi32, #tpu.memory_space<vmem>>
      %dma_start3A_36 = tpu.memref_squeeze %dma_start3A_35 : memref<1x1x128xi32, #tpu.memory_space<vmem>> -> memref<128xi32, #tpu.memory_space<vmem>>
      %dma_start3A_37 = arith.constant 0 : i32
      %dma_start3A_38 = arith.constant 0 : i32
      %dma_start3A_39 = tpu.memref_slice %arg4[%dma_start3A_37, %dma_start3A_38] : memref<10000x128xf32, #tpu.memory_space<hbm>> -> memref<10000x128xf32, #tpu.memory_space<hbm>>
      tpu.enqueue_indirect_dma source(%dma_start3A_39 : memref<10000x128xf32, #tpu.memory_space<hbm>>) target(%arg10 : memref<128x128xf32, #tpu.memory_space<vmem>>) offsets(%dma_start3A_36 : memref<128xi32, #tpu.memory_space<vmem>>) semaphore(%arg12 : memref<!tpu.dma_semaphore, #tpu.memory_space<semaphore_mem>>)
      %scan3A = arith.constant 0 : i32
      %scan3A_40 = arith.constant 0 : i32
      %scan3A_41 = arith.constant 16 : i32
      %scan3A_42 = arith.addi %scan3A_40, %scan3A_41 : i32
      %scan3A_43 = arith.constant 1 : i32
      scf.for %scan3A_45 = %scan3A_40 to %scan3A_42 step %scan3A_43  : i32 {
        %rem3A = arith.constant 2 : i32
        %rem3A_46 = arith.remsi %scan3A_45, %rem3A : i32
        %add3A_47 = arith.constant 1 : i32
        %add3A_48 = arith.addi %scan3A_45, %add3A_47 : i32
        %rem3A_49 = arith.constant 2 : i32
        %rem3A_50 = arith.remsi %add3A_48, %rem3A_49 : i32
        %gt3A = arith.constant 0 : i32
        %gt3A_51 = arith.cmpi sgt, %scan3A_45, %gt3A : i32
        %convert_element_type3A_52 = arith.extui %gt3A_51 : i1 to i32
        %cond3A_53 = arith.constant 0 : i32
        %cond3A_54 = arith.cmpi ne, %convert_element_type3A_52, %cond3A_53 : i32
        scf.if %cond3A_54 {
          tpu.wait_dma2 semaphore(%arg13 : memref<!tpu.dma_semaphore, #tpu.memory_space<semaphore_mem>>) src(%arg5 : memref<128x128xf32, #tpu.memory_space<hbm>>) dst(%arg10 : memref<128x128xf32, #tpu.memory_space<vmem>>)
        } else {
        }
        %add3A_55 = arith.constant 1 : i32
        %add3A_56 = arith.addi %scan3A_45, %add3A_55 : i32
        %lt3A = arith.constant 16 : i32
        %lt3A_57 = arith.cmpi slt, %add3A_56, %lt3A : i32
        %convert_element_type3A_58 = arith.extui %lt3A_57 : i1 to i32
        %cond3A_59 = arith.constant 0 : i32
        %cond3A_60 = arith.cmpi ne, %convert_element_type3A_58, %cond3A_59 : i32
        scf.if %cond3A_60 {
          %add3A_235 = arith.constant 1 : i32
          %add3A_236 = arith.addi %scan3A_45, %add3A_235 : i32
          %mul3A_237 = arith.constant 8 : i32
          %mul3A_238 = arith.muli %add3A_236, %mul3A_237 : i32
          %add3A_239 = arith.addi %mul3A_31, %mul3A_238 : i32
          %dma_start3A_240 = arith.constant 0 : i32
          %dma_start3A_241 = arith.constant 0 : i32
          %dma_start3A_242 = tpu.memref_slice %arg8[%rem3A_50, %dma_start3A_240, %dma_start3A_241] : memref<2x8x128xi32, #tpu.memory_space<vmem>> -> memref<1x8x128xi32, #tpu.memory_space<vmem>>
          %dma_start3A_243 = tpu.memref_squeeze %dma_start3A_242 : memref<1x8x128xi32, #tpu.memory_space<vmem>> -> memref<8x128xi32, #tpu.memory_space<vmem>>
          %dma_start3A_244 = arith.constant 0 : i32
          %dma_start3A_245 = tpu.memref_slice %arg2[%add3A_239, %dma_start3A_244] : memref<2560x128xi32, #tpu.memory_space<hbm>> -> memref<8x128xi32, #tpu.memory_space<hbm>>
          %dma_start3A_246 = arith.constant 0 : i32
          %dma_start3A_247 = arith.constant 0 : i32
          %dma_start3A_248 = tpu.memref_slice %arg8[%rem3A_50, %dma_start3A_246, %dma_start3A_247] : memref<2x8x128xi32, #tpu.memory_space<vmem>> -> memref<1x8x128xi32, #tpu.memory_space<vmem>>
          %dma_start3A_249 = tpu.memref_squeeze %dma_start3A_248 : memref<1x8x128xi32, #tpu.memory_space<vmem>> -> memref<8x128xi32, #tpu.memory_space<vmem>>
          %dma_start3A_250 = arith.constant 0 : i32
          %dma_start3A_251 = tpu.memref_slice %arg2[%add3A_239, %dma_start3A_250] : memref<2560x128xi32, #tpu.memory_space<hbm>> -> memref<8x128xi32, #tpu.memory_space<hbm>>
          tpu.enqueue_dma source(%dma_start3A_251 : memref<8x128xi32, #tpu.memory_space<hbm>>) target(%dma_start3A_249 : memref<8x128xi32, #tpu.memory_space<vmem>>) target_semaphore(%arg14 : memref<!tpu.dma_semaphore, #tpu.memory_space<semaphore_mem>>)
          %dma_start3A_252 = arith.constant 0 : i32
          %dma_start3A_253 = arith.constant 0 : i32
          %dma_start3A_254 = tpu.memref_slice %arg9[%rem3A_50, %dma_start3A_252, %dma_start3A_253] : memref<2x8x128xi32, #tpu.memory_space<vmem>> -> memref<1x8x128xi32, #tpu.memory_space<vmem>>
          %dma_start3A_255 = tpu.memref_squeeze %dma_start3A_254 : memref<1x8x128xi32, #tpu.memory_space<vmem>> -> memref<8x128xi32, #tpu.memory_space<vmem>>
          %dma_start3A_256 = arith.constant 0 : i32
          %dma_start3A_257 = tpu.memref_slice %arg3[%add3A_239, %dma_start3A_256] : memref<2560x128xi32, #tpu.memory_space<hbm>> -> memref<8x128xi32, #tpu.memory_space<hbm>>
          %dma_start3A_258 = arith.constant 0 : i32
          %dma_start3A_259 = arith.constant 0 : i32
          %dma_start3A_260 = tpu.memref_slice %arg9[%rem3A_50, %dma_start3A_258, %dma_start3A_259] : memref<2x8x128xi32, #tpu.memory_space<vmem>> -> memref<1x8x128xi32, #tpu.memory_space<vmem>>
          %dma_start3A_261 = tpu.memref_squeeze %dma_start3A_260 : memref<1x8x128xi32, #tpu.memory_space<vmem>> -> memref<8x128xi32, #tpu.memory_space<vmem>>
          %dma_start3A_262 = arith.constant 0 : i32
          %dma_start3A_263 = tpu.memref_slice %arg3[%add3A_239, %dma_start3A_262] : memref<2560x128xi32, #tpu.memory_space<hbm>> -> memref<8x128xi32, #tpu.memory_space<hbm>>
          tpu.enqueue_dma source(%dma_start3A_263 : memref<8x128xi32, #tpu.memory_space<hbm>>) target(%dma_start3A_261 : memref<8x128xi32, #tpu.memory_space<vmem>>) target_semaphore(%arg14 : memref<!tpu.dma_semaphore, #tpu.memory_space<semaphore_mem>>)
        } else {
        }
        %dma_start3A_61 = arith.constant 1 : i32
        %dma_start3A_62 = arith.constant 0 : i32
        %dma_start3A_63 = tpu.memref_slice %arg8[%rem3A_46, %dma_start3A_61, %dma_start3A_62] : memref<2x8x128xi32, #tpu.memory_space<vmem>> -> memref<1x1x128xi32, #tpu.memory_space<vmem>>
        %dma_start3A_64 = tpu.memref_squeeze %dma_start3A_63 : memref<1x1x128xi32, #tpu.memory_space<vmem>> -> memref<128xi32, #tpu.memory_space<vmem>>
        %dma_start3A_65 = arith.constant 0 : i32
        %dma_start3A_66 = arith.constant 0 : i32
        %dma_start3A_67 = tpu.memref_slice %arg4[%dma_start3A_65, %dma_start3A_66] : memref<10000x128xf32, #tpu.memory_space<hbm>> -> memref<10000x128xf32, #tpu.memory_space<hbm>>
        tpu.enqueue_indirect_dma source(%dma_start3A_67 : memref<10000x128xf32, #tpu.memory_space<hbm>>) target(%arg11 : memref<128x128xf32, #tpu.memory_space<vmem>>) offsets(%dma_start3A_64 : memref<128xi32, #tpu.memory_space<vmem>>) semaphore(%arg12 : memref<!tpu.dma_semaphore, #tpu.memory_space<semaphore_mem>>)
        %dma_wait3A = arith.constant 0 : i32
        %dma_wait3A_68 = arith.constant 0 : i32
        %dma_wait3A_69 = tpu.memref_slice %arg8[%rem3A_46, %dma_wait3A, %dma_wait3A_68] : memref<2x8x128xi32, #tpu.memory_space<vmem>> -> memref<1x1x128xi32, #tpu.memory_space<vmem>>
        %dma_wait3A_70 = tpu.memref_squeeze %dma_wait3A_69 : memref<1x1x128xi32, #tpu.memory_space<vmem>> -> memref<128xi32, #tpu.memory_space<vmem>>
        %dma_wait3A_71 = arith.constant 0 : i32
        %dma_wait3A_72 = arith.constant 0 : i32
        %dma_wait3A_73 = tpu.memref_slice %arg4[%dma_wait3A_71, %dma_wait3A_72] : memref<10000x128xf32, #tpu.memory_space<hbm>> -> memref<10000x128xf32, #tpu.memory_space<hbm>>
        tpu.wait_indirect_dma semaphore(%arg12 : memref<!tpu.dma_semaphore, #tpu.memory_space<semaphore_mem>>) src(%dma_wait3A_73 : memref<10000x128xf32, #tpu.memory_space<hbm>>) dst(%arg10 : memref<128x128xf32, #tpu.memory_space<vmem>>)
        %dma_start3A_74 = arith.constant 0 : i32
        %dma_start3A_75 = arith.constant 0 : i32
        %dma_start3A_76 = tpu.memref_slice %arg9[%rem3A_46, %dma_start3A_74, %dma_start3A_75] : memref<2x8x128xi32, #tpu.memory_space<vmem>> -> memref<1x1x128xi32, #tpu.memory_space<vmem>>
        %dma_start3A_77 = tpu.memref_squeeze %dma_start3A_76 : memref<1x1x128xi32, #tpu.memory_space<vmem>> -> memref<128xi32, #tpu.memory_space<vmem>>
        %dma_start3A_78 = arith.constant 0 : i32
        %dma_start3A_79 = arith.constant 0 : i32
        %dma_start3A_80 = tpu.memref_slice %arg7[%dma_start3A_78, %dma_start3A_79] : memref<10240x128xf32, #tpu.memory_space<vmem_shared>> -> memref<10240x128xf32, #tpu.memory_space<vmem_shared>>
        tpu.enqueue_indirect_dma source(%arg10 : memref<128x128xf32, #tpu.memory_space<vmem>>) target(%dma_start3A_80 : memref<10240x128xf32, #tpu.memory_space<vmem_shared>>) offsets(%dma_start3A_77 : memref<128xi32, #tpu.memory_space<vmem>>) semaphore(%arg13 : memref<!tpu.dma_semaphore, #tpu.memory_space<semaphore_mem>>) {add = true}
        tpu.wait_dma2 semaphore(%arg13 : memref<!tpu.dma_semaphore, #tpu.memory_space<semaphore_mem>>) src(%arg5 : memref<128x128xf32, #tpu.memory_space<hbm>>) dst(%arg10 : memref<128x128xf32, #tpu.memory_space<vmem>>)
        %dma_start3A_81 = arith.constant 2 : i32
        %dma_start3A_82 = arith.constant 0 : i32
        %dma_start3A_83 = tpu.memref_slice %arg8[%rem3A_46, %dma_start3A_81, %dma_start3A_82] : memref<2x8x128xi32, #tpu.memory_space<vmem>> -> memref<1x1x128xi32, #tpu.memory_space<vmem>>
        %dma_start3A_84 = tpu.memref_squeeze %dma_start3A_83 : memref<1x1x128xi32, #tpu.memory_space<vmem>> -> memref<128xi32, #tpu.memory_space<vmem>>
        %dma_start3A_85 = arith.constant 0 : i32
        %dma_start3A_86 = arith.constant 0 : i32
        %dma_start3A_87 = tpu.memref_slice %arg4[%dma_start3A_85, %dma_start3A_86] : memref<10000x128xf32, #tpu.memory_space<hbm>> -> memref<10000x128xf32, #tpu.memory_space<hbm>>
        tpu.enqueue_indirect_dma source(%dma_start3A_87 : memref<10000x128xf32, #tpu.memory_space<hbm>>) target(%arg10 : memref<128x128xf32, #tpu.memory_space<vmem>>) offsets(%dma_start3A_84 : memref<128xi32, #tpu.memory_space<vmem>>) semaphore(%arg12 : memref<!tpu.dma_semaphore, #tpu.memory_space<semaphore_mem>>)
        %dma_wait3A_88 = arith.constant 1 : i32
        %dma_wait3A_89 = arith.constant 0 : i32
        %dma_wait3A_90 = tpu.memref_slice %arg8[%rem3A_46, %dma_wait3A_88, %dma_wait3A_89] : memref<2x8x128xi32, #tpu.memory_space<vmem>> -> memref<1x1x128xi32, #tpu.memory_space<vmem>>
        %dma_wait3A_91 = tpu.memref_squeeze %dma_wait3A_90 : memref<1x1x128xi32, #tpu.memory_space<vmem>> -> memref<128xi32, #tpu.memory_space<vmem>>
        %dma_wait3A_92 = arith.constant 0 : i32
        %dma_wait3A_93 = arith.constant 0 : i32
        %dma_wait3A_94 = tpu.memref_slice %arg4[%dma_wait3A_92, %dma_wait3A_93] : memref<10000x128xf32, #tpu.memory_space<hbm>> -> memref<10000x128xf32, #tpu.memory_space<hbm>>
        tpu.wait_indirect_dma semaphore(%arg12 : memref<!tpu.dma_semaphore, #tpu.memory_space<semaphore_mem>>) src(%dma_wait3A_94 : memref<10000x128xf32, #tpu.memory_space<hbm>>) dst(%arg11 : memref<128x128xf32, #tpu.memory_space<vmem>>)
        %dma_start3A_95 = arith.constant 1 : i32
        %dma_start3A_96 = arith.constant 0 : i32
        %dma_start3A_97 = tpu.memref_slice %arg9[%rem3A_46, %dma_start3A_95, %dma_start3A_96] : memref<2x8x128xi32, #tpu.memory_space<vmem>> -> memref<1x1x128xi32, #tpu.memory_space<vmem>>
        %dma_start3A_98 = tpu.memref_squeeze %dma_start3A_97 : memref<1x1x128xi32, #tpu.memory_space<vmem>> -> memref<128xi32, #tpu.memory_space<vmem>>
        %dma_start3A_99 = arith.constant 0 : i32
        %dma_start3A_100 = arith.constant 0 : i32
        %dma_start3A_101 = tpu.memref_slice %arg7[%dma_start3A_99, %dma_start3A_100] : memref<10240x128xf32, #tpu.memory_space<vmem_shared>> -> memref<10240x128xf32, #tpu.memory_space<vmem_shared>>
        tpu.enqueue_indirect_dma source(%arg11 : memref<128x128xf32, #tpu.memory_space<vmem>>) target(%dma_start3A_101 : memref<10240x128xf32, #tpu.memory_space<vmem_shared>>) offsets(%dma_start3A_98 : memref<128xi32, #tpu.memory_space<vmem>>) semaphore(%arg13 : memref<!tpu.dma_semaphore, #tpu.memory_space<semaphore_mem>>) {add = true}
        tpu.wait_dma2 semaphore(%arg13 : memref<!tpu.dma_semaphore, #tpu.memory_space<semaphore_mem>>) src(%arg5 : memref<128x128xf32, #tpu.memory_space<hbm>>) dst(%arg10 : memref<128x128xf32, #tpu.memory_space<vmem>>)
        %dma_start3A_102 = arith.constant 3 : i32
        %dma_start3A_103 = arith.constant 0 : i32
        %dma_start3A_104 = tpu.memref_slice %arg8[%rem3A_46, %dma_start3A_102, %dma_start3A_103] : memref<2x8x128xi32, #tpu.memory_space<vmem>> -> memref<1x1x128xi32, #tpu.memory_space<vmem>>
        %dma_start3A_105 = tpu.memref_squeeze %dma_start3A_104 : memref<1x1x128xi32, #tpu.memory_space<vmem>> -> memref<128xi32, #tpu.memory_space<vmem>>
        %dma_start3A_106 = arith.constant 0 : i32
        %dma_start3A_107 = arith.constant 0 : i32
        %dma_start3A_108 = tpu.memref_slice %arg4[%dma_start3A_106, %dma_start3A_107] : memref<10000x128xf32, #tpu.memory_space<hbm>> -> memref<10000x128xf32, #tpu.memory_space<hbm>>
        tpu.enqueue_indirect_dma source(%dma_start3A_108 : memref<10000x128xf32, #tpu.memory_space<hbm>>) target(%arg11 : memref<128x128xf32, #tpu.memory_space<vmem>>) offsets(%dma_start3A_105 : memref<128xi32, #tpu.memory_space<vmem>>) semaphore(%arg12 : memref<!tpu.dma_semaphore, #tpu.memory_space<semaphore_mem>>)
        %dma_wait3A_109 = arith.constant 2 : i32
        %dma_wait3A_110 = arith.constant 0 : i32
        %dma_wait3A_111 = tpu.memref_slice %arg8[%rem3A_46, %dma_wait3A_109, %dma_wait3A_110] : memref<2x8x128xi32, #tpu.memory_space<vmem>> -> memref<1x1x128xi32, #tpu.memory_space<vmem>>
        %dma_wait3A_112 = tpu.memref_squeeze %dma_wait3A_111 : memref<1x1x128xi32, #tpu.memory_space<vmem>> -> memref<128xi32, #tpu.memory_space<vmem>>
        %dma_wait3A_113 = arith.constant 0 : i32
        %dma_wait3A_114 = arith.constant 0 : i32
        %dma_wait3A_115 = tpu.memref_slice %arg4[%dma_wait3A_113, %dma_wait3A_114] : memref<10000x128xf32, #tpu.memory_space<hbm>> -> memref<10000x128xf32, #tpu.memory_space<hbm>>
        tpu.wait_indirect_dma semaphore(%arg12 : memref<!tpu.dma_semaphore, #tpu.memory_space<semaphore_mem>>) src(%dma_wait3A_115 : memref<10000x128xf32, #tpu.memory_space<hbm>>) dst(%arg10 : memref<128x128xf32, #tpu.memory_space<vmem>>)
        %dma_start3A_116 = arith.constant 2 : i32
        %dma_start3A_117 = arith.constant 0 : i32
        %dma_start3A_118 = tpu.memref_slice %arg9[%rem3A_46, %dma_start3A_116, %dma_start3A_117] : memref<2x8x128xi32, #tpu.memory_space<vmem>> -> memref<1x1x128xi32, #tpu.memory_space<vmem>>
        %dma_start3A_119 = tpu.memref_squeeze %dma_start3A_118 : memref<1x1x128xi32, #tpu.memory_space<vmem>> -> memref<128xi32, #tpu.memory_space<vmem>>
        %dma_start3A_120 = arith.constant 0 : i32
        %dma_start3A_121 = arith.constant 0 : i32
        %dma_start3A_122 = tpu.memref_slice %arg7[%dma_start3A_120, %dma_start3A_121] : memref<10240x128xf32, #tpu.memory_space<vmem_shared>> -> memref<10240x128xf32, #tpu.memory_space<vmem_shared>>
        tpu.enqueue_indirect_dma source(%arg10 : memref<128x128xf32, #tpu.memory_space<vmem>>) target(%dma_start3A_122 : memref<10240x128xf32, #tpu.memory_space<vmem_shared>>) offsets(%dma_start3A_119 : memref<128xi32, #tpu.memory_space<vmem>>) semaphore(%arg13 : memref<!tpu.dma_semaphore, #tpu.memory_space<semaphore_mem>>) {add = true}
        tpu.wait_dma2 semaphore(%arg13 : memref<!tpu.dma_semaphore, #tpu.memory_space<semaphore_mem>>) src(%arg5 : memref<128x128xf32, #tpu.memory_space<hbm>>) dst(%arg10 : memref<128x128xf32, #tpu.memory_space<vmem>>)
        %dma_start3A_123 = arith.constant 4 : i32
        %dma_start3A_124 = arith.constant 0 : i32
        %dma_start3A_125 = tpu.memref_slice %arg8[%rem3A_46, %dma_start3A_123, %dma_start3A_124] : memref<2x8x128xi32, #tpu.memory_space<vmem>> -> memref<1x1x128xi32, #tpu.memory_space<vmem>>
        %dma_start3A_126 = tpu.memref_squeeze %dma_start3A_125 : memref<1x1x128xi32, #tpu.memory_space<vmem>> -> memref<128xi32, #tpu.memory_space<vmem>>
        %dma_start3A_127 = arith.constant 0 : i32
        %dma_start3A_128 = arith.constant 0 : i32
        %dma_start3A_129 = tpu.memref_slice %arg4[%dma_start3A_127, %dma_start3A_128] : memref<10000x128xf32, #tpu.memory_space<hbm>> -> memref<10000x128xf32, #tpu.memory_space<hbm>>
        tpu.enqueue_indirect_dma source(%dma_start3A_129 : memref<10000x128xf32, #tpu.memory_space<hbm>>) target(%arg10 : memref<128x128xf32, #tpu.memory_space<vmem>>) offsets(%dma_start3A_126 : memref<128xi32, #tpu.memory_space<vmem>>) semaphore(%arg12 : memref<!tpu.dma_semaphore, #tpu.memory_space<semaphore_mem>>)
        %dma_wait3A_130 = arith.constant 3 : i32
        %dma_wait3A_131 = arith.constant 0 : i32
        %dma_wait3A_132 = tpu.memref_slice %arg8[%rem3A_46, %dma_wait3A_130, %dma_wait3A_131] : memref<2x8x128xi32, #tpu.memory_space<vmem>> -> memref<1x1x128xi32, #tpu.memory_space<vmem>>
        %dma_wait3A_133 = tpu.memref_squeeze %dma_wait3A_132 : memref<1x1x128xi32, #tpu.memory_space<vmem>> -> memref<128xi32, #tpu.memory_space<vmem>>
        %dma_wait3A_134 = arith.constant 0 : i32
        %dma_wait3A_135 = arith.constant 0 : i32
        %dma_wait3A_136 = tpu.memref_slice %arg4[%dma_wait3A_134, %dma_wait3A_135] : memref<10000x128xf32, #tpu.memory_space<hbm>> -> memref<10000x128xf32, #tpu.memory_space<hbm>>
        tpu.wait_indirect_dma semaphore(%arg12 : memref<!tpu.dma_semaphore, #tpu.memory_space<semaphore_mem>>) src(%dma_wait3A_136 : memref<10000x128xf32, #tpu.memory_space<hbm>>) dst(%arg11 : memref<128x128xf32, #tpu.memory_space<vmem>>)
        %dma_start3A_137 = arith.constant 3 : i32
        %dma_start3A_138 = arith.constant 0 : i32
        %dma_start3A_139 = tpu.memref_slice %arg9[%rem3A_46, %dma_start3A_137, %dma_start3A_138] : memref<2x8x128xi32, #tpu.memory_space<vmem>> -> memref<1x1x128xi32, #tpu.memory_space<vmem>>
        %dma_start3A_140 = tpu.memref_squeeze %dma_start3A_139 : memref<1x1x128xi32, #tpu.memory_space<vmem>> -> memref<128xi32, #tpu.memory_space<vmem>>
        %dma_start3A_141 = arith.constant 0 : i32
        %dma_start3A_142 = arith.constant 0 : i32
        %dma_start3A_143 = tpu.memref_slice %arg7[%dma_start3A_141, %dma_start3A_142] : memref<10240x128xf32, #tpu.memory_space<vmem_shared>> -> memref<10240x128xf32, #tpu.memory_space<vmem_shared>>
        tpu.enqueue_indirect_dma source(%arg11 : memref<128x128xf32, #tpu.memory_space<vmem>>) target(%dma_start3A_143 : memref<10240x128xf32, #tpu.memory_space<vmem_shared>>) offsets(%dma_start3A_140 : memref<128xi32, #tpu.memory_space<vmem>>) semaphore(%arg13 : memref<!tpu.dma_semaphore, #tpu.memory_space<semaphore_mem>>) {add = true}
        tpu.wait_dma2 semaphore(%arg13 : memref<!tpu.dma_semaphore, #tpu.memory_space<semaphore_mem>>) src(%arg5 : memref<128x128xf32, #tpu.memory_space<hbm>>) dst(%arg10 : memref<128x128xf32, #tpu.memory_space<vmem>>)
        %dma_start3A_144 = arith.constant 5 : i32
        %dma_start3A_145 = arith.constant 0 : i32
        %dma_start3A_146 = tpu.memref_slice %arg8[%rem3A_46, %dma_start3A_144, %dma_start3A_145] : memref<2x8x128xi32, #tpu.memory_space<vmem>> -> memref<1x1x128xi32, #tpu.memory_space<vmem>>
        %dma_start3A_147 = tpu.memref_squeeze %dma_start3A_146 : memref<1x1x128xi32, #tpu.memory_space<vmem>> -> memref<128xi32, #tpu.memory_space<vmem>>
        %dma_start3A_148 = arith.constant 0 : i32
        %dma_start3A_149 = arith.constant 0 : i32
        %dma_start3A_150 = tpu.memref_slice %arg4[%dma_start3A_148, %dma_start3A_149] : memref<10000x128xf32, #tpu.memory_space<hbm>> -> memref<10000x128xf32, #tpu.memory_space<hbm>>
        tpu.enqueue_indirect_dma source(%dma_start3A_150 : memref<10000x128xf32, #tpu.memory_space<hbm>>) target(%arg11 : memref<128x128xf32, #tpu.memory_space<vmem>>) offsets(%dma_start3A_147 : memref<128xi32, #tpu.memory_space<vmem>>) semaphore(%arg12 : memref<!tpu.dma_semaphore, #tpu.memory_space<semaphore_mem>>)
        %dma_wait3A_151 = arith.constant 4 : i32
        %dma_wait3A_152 = arith.constant 0 : i32
        %dma_wait3A_153 = tpu.memref_slice %arg8[%rem3A_46, %dma_wait3A_151, %dma_wait3A_152] : memref<2x8x128xi32, #tpu.memory_space<vmem>> -> memref<1x1x128xi32, #tpu.memory_space<vmem>>
        %dma_wait3A_154 = tpu.memref_squeeze %dma_wait3A_153 : memref<1x1x128xi32, #tpu.memory_space<vmem>> -> memref<128xi32, #tpu.memory_space<vmem>>
        %dma_wait3A_155 = arith.constant 0 : i32
        %dma_wait3A_156 = arith.constant 0 : i32
        %dma_wait3A_157 = tpu.memref_slice %arg4[%dma_wait3A_155, %dma_wait3A_156] : memref<10000x128xf32, #tpu.memory_space<hbm>> -> memref<10000x128xf32, #tpu.memory_space<hbm>>
        tpu.wait_indirect_dma semaphore(%arg12 : memref<!tpu.dma_semaphore, #tpu.memory_space<semaphore_mem>>) src(%dma_wait3A_157 : memref<10000x128xf32, #tpu.memory_space<hbm>>) dst(%arg10 : memref<128x128xf32, #tpu.memory_space<vmem>>)
        %dma_start3A_158 = arith.constant 4 : i32
        %dma_start3A_159 = arith.constant 0 : i32
        %dma_start3A_160 = tpu.memref_slice %arg9[%rem3A_46, %dma_start3A_158, %dma_start3A_159] : memref<2x8x128xi32, #tpu.memory_space<vmem>> -> memref<1x1x128xi32, #tpu.memory_space<vmem>>
        %dma_start3A_161 = tpu.memref_squeeze %dma_start3A_160 : memref<1x1x128xi32, #tpu.memory_space<vmem>> -> memref<128xi32, #tpu.memory_space<vmem>>
        %dma_start3A_162 = arith.constant 0 : i32
        %dma_start3A_163 = arith.constant 0 : i32
        %dma_start3A_164 = tpu.memref_slice %arg7[%dma_start3A_162, %dma_start3A_163] : memref<10240x128xf32, #tpu.memory_space<vmem_shared>> -> memref<10240x128xf32, #tpu.memory_space<vmem_shared>>
        tpu.enqueue_indirect_dma source(%arg10 : memref<128x128xf32, #tpu.memory_space<vmem>>) target(%dma_start3A_164 : memref<10240x128xf32, #tpu.memory_space<vmem_shared>>) offsets(%dma_start3A_161 : memref<128xi32, #tpu.memory_space<vmem>>) semaphore(%arg13 : memref<!tpu.dma_semaphore, #tpu.memory_space<semaphore_mem>>) {add = true}
        tpu.wait_dma2 semaphore(%arg13 : memref<!tpu.dma_semaphore, #tpu.memory_space<semaphore_mem>>) src(%arg5 : memref<128x128xf32, #tpu.memory_space<hbm>>) dst(%arg10 : memref<128x128xf32, #tpu.memory_space<vmem>>)
        %dma_start3A_165 = arith.constant 6 : i32
        %dma_start3A_166 = arith.constant 0 : i32
        %dma_start3A_167 = tpu.memref_slice %arg8[%rem3A_46, %dma_start3A_165, %dma_start3A_166] : memref<2x8x128xi32, #tpu.memory_space<vmem>> -> memref<1x1x128xi32, #tpu.memory_space<vmem>>
        %dma_start3A_168 = tpu.memref_squeeze %dma_start3A_167 : memref<1x1x128xi32, #tpu.memory_space<vmem>> -> memref<128xi32, #tpu.memory_space<vmem>>
        %dma_start3A_169 = arith.constant 0 : i32
        %dma_start3A_170 = arith.constant 0 : i32
        %dma_start3A_171 = tpu.memref_slice %arg4[%dma_start3A_169, %dma_start3A_170] : memref<10000x128xf32, #tpu.memory_space<hbm>> -> memref<10000x128xf32, #tpu.memory_space<hbm>>
        tpu.enqueue_indirect_dma source(%dma_start3A_171 : memref<10000x128xf32, #tpu.memory_space<hbm>>) target(%arg10 : memref<128x128xf32, #tpu.memory_space<vmem>>) offsets(%dma_start3A_168 : memref<128xi32, #tpu.memory_space<vmem>>) semaphore(%arg12 : memref<!tpu.dma_semaphore, #tpu.memory_space<semaphore_mem>>)
        %dma_wait3A_172 = arith.constant 5 : i32
        %dma_wait3A_173 = arith.constant 0 : i32
        %dma_wait3A_174 = tpu.memref_slice %arg8[%rem3A_46, %dma_wait3A_172, %dma_wait3A_173] : memref<2x8x128xi32, #tpu.memory_space<vmem>> -> memref<1x1x128xi32, #tpu.memory_space<vmem>>
        %dma_wait3A_175 = tpu.memref_squeeze %dma_wait3A_174 : memref<1x1x128xi32, #tpu.memory_space<vmem>> -> memref<128xi32, #tpu.memory_space<vmem>>
        %dma_wait3A_176 = arith.constant 0 : i32
        %dma_wait3A_177 = arith.constant 0 : i32
        %dma_wait3A_178 = tpu.memref_slice %arg4[%dma_wait3A_176, %dma_wait3A_177] : memref<10000x128xf32, #tpu.memory_space<hbm>> -> memref<10000x128xf32, #tpu.memory_space<hbm>>
        tpu.wait_indirect_dma semaphore(%arg12 : memref<!tpu.dma_semaphore, #tpu.memory_space<semaphore_mem>>) src(%dma_wait3A_178 : memref<10000x128xf32, #tpu.memory_space<hbm>>) dst(%arg11 : memref<128x128xf32, #tpu.memory_space<vmem>>)
        %dma_start3A_179 = arith.constant 5 : i32
        %dma_start3A_180 = arith.constant 0 : i32
        %dma_start3A_181 = tpu.memref_slice %arg9[%rem3A_46, %dma_start3A_179, %dma_start3A_180] : memref<2x8x128xi32, #tpu.memory_space<vmem>> -> memref<1x1x128xi32, #tpu.memory_space<vmem>>
        %dma_start3A_182 = tpu.memref_squeeze %dma_start3A_181 : memref<1x1x128xi32, #tpu.memory_space<vmem>> -> memref<128xi32, #tpu.memory_space<vmem>>
        %dma_start3A_183 = arith.constant 0 : i32
        %dma_start3A_184 = arith.constant 0 : i32
        %dma_start3A_185 = tpu.memref_slice %arg7[%dma_start3A_183, %dma_start3A_184] : memref<10240x128xf32, #tpu.memory_space<vmem_shared>> -> memref<10240x128xf32, #tpu.memory_space<vmem_shared>>
        tpu.enqueue_indirect_dma source(%arg11 : memref<128x128xf32, #tpu.memory_space<vmem>>) target(%dma_start3A_185 : memref<10240x128xf32, #tpu.memory_space<vmem_shared>>) offsets(%dma_start3A_182 : memref<128xi32, #tpu.memory_space<vmem>>) semaphore(%arg13 : memref<!tpu.dma_semaphore, #tpu.memory_space<semaphore_mem>>) {add = true}
        tpu.wait_dma2 semaphore(%arg13 : memref<!tpu.dma_semaphore, #tpu.memory_space<semaphore_mem>>) src(%arg5 : memref<128x128xf32, #tpu.memory_space<hbm>>) dst(%arg10 : memref<128x128xf32, #tpu.memory_space<vmem>>)
        %dma_start3A_186 = arith.constant 7 : i32
        %dma_start3A_187 = arith.constant 0 : i32
        %dma_start3A_188 = tpu.memref_slice %arg8[%rem3A_46, %dma_start3A_186, %dma_start3A_187] : memref<2x8x128xi32, #tpu.memory_space<vmem>> -> memref<1x1x128xi32, #tpu.memory_space<vmem>>
        %dma_start3A_189 = tpu.memref_squeeze %dma_start3A_188 : memref<1x1x128xi32, #tpu.memory_space<vmem>> -> memref<128xi32, #tpu.memory_space<vmem>>
        %dma_start3A_190 = arith.constant 0 : i32
        %dma_start3A_191 = arith.constant 0 : i32
        %dma_start3A_192 = tpu.memref_slice %arg4[%dma_start3A_190, %dma_start3A_191] : memref<10000x128xf32, #tpu.memory_space<hbm>> -> memref<10000x128xf32, #tpu.memory_space<hbm>>
        tpu.enqueue_indirect_dma source(%dma_start3A_192 : memref<10000x128xf32, #tpu.memory_space<hbm>>) target(%arg11 : memref<128x128xf32, #tpu.memory_space<vmem>>) offsets(%dma_start3A_189 : memref<128xi32, #tpu.memory_space<vmem>>) semaphore(%arg12 : memref<!tpu.dma_semaphore, #tpu.memory_space<semaphore_mem>>)
        %dma_wait3A_193 = arith.constant 6 : i32
        %dma_wait3A_194 = arith.constant 0 : i32
        %dma_wait3A_195 = tpu.memref_slice %arg8[%rem3A_46, %dma_wait3A_193, %dma_wait3A_194] : memref<2x8x128xi32, #tpu.memory_space<vmem>> -> memref<1x1x128xi32, #tpu.memory_space<vmem>>
        %dma_wait3A_196 = tpu.memref_squeeze %dma_wait3A_195 : memref<1x1x128xi32, #tpu.memory_space<vmem>> -> memref<128xi32, #tpu.memory_space<vmem>>
        %dma_wait3A_197 = arith.constant 0 : i32
        %dma_wait3A_198 = arith.constant 0 : i32
        %dma_wait3A_199 = tpu.memref_slice %arg4[%dma_wait3A_197, %dma_wait3A_198] : memref<10000x128xf32, #tpu.memory_space<hbm>> -> memref<10000x128xf32, #tpu.memory_space<hbm>>
        tpu.wait_indirect_dma semaphore(%arg12 : memref<!tpu.dma_semaphore, #tpu.memory_space<semaphore_mem>>) src(%dma_wait3A_199 : memref<10000x128xf32, #tpu.memory_space<hbm>>) dst(%arg10 : memref<128x128xf32, #tpu.memory_space<vmem>>)
        %dma_start3A_200 = arith.constant 6 : i32
        %dma_start3A_201 = arith.constant 0 : i32
        %dma_start3A_202 = tpu.memref_slice %arg9[%rem3A_46, %dma_start3A_200, %dma_start3A_201] : memref<2x8x128xi32, #tpu.memory_space<vmem>> -> memref<1x1x128xi32, #tpu.memory_space<vmem>>
        %dma_start3A_203 = tpu.memref_squeeze %dma_start3A_202 : memref<1x1x128xi32, #tpu.memory_space<vmem>> -> memref<128xi32, #tpu.memory_space<vmem>>
        %dma_start3A_204 = arith.constant 0 : i32
        %dma_start3A_205 = arith.constant 0 : i32
        %dma_start3A_206 = tpu.memref_slice %arg7[%dma_start3A_204, %dma_start3A_205] : memref<10240x128xf32, #tpu.memory_space<vmem_shared>> -> memref<10240x128xf32, #tpu.memory_space<vmem_shared>>
        tpu.enqueue_indirect_dma source(%arg10 : memref<128x128xf32, #tpu.memory_space<vmem>>) target(%dma_start3A_206 : memref<10240x128xf32, #tpu.memory_space<vmem_shared>>) offsets(%dma_start3A_203 : memref<128xi32, #tpu.memory_space<vmem>>) semaphore(%arg13 : memref<!tpu.dma_semaphore, #tpu.memory_space<semaphore_mem>>) {add = true}
        tpu.wait_dma2 semaphore(%arg13 : memref<!tpu.dma_semaphore, #tpu.memory_space<semaphore_mem>>) src(%arg5 : memref<128x128xf32, #tpu.memory_space<hbm>>) dst(%arg10 : memref<128x128xf32, #tpu.memory_space<vmem>>)
        %add3A_207 = arith.constant 1 : i32
        %add3A_208 = arith.addi %scan3A_45, %add3A_207 : i32
        %lt3A_209 = arith.constant 16 : i32
        %lt3A_210 = arith.cmpi slt, %add3A_208, %lt3A_209 : i32
        %convert_element_type3A_211 = arith.extui %lt3A_210 : i1 to i32
        %cond3A_212 = arith.constant 0 : i32
        %cond3A_213 = arith.cmpi ne, %convert_element_type3A_211, %cond3A_212 : i32
        scf.if %cond3A_213 {
          %add3A_235 = arith.constant 1 : i32
          %add3A_236 = arith.addi %scan3A_45, %add3A_235 : i32
          %mul3A_237 = arith.constant 8 : i32
          %mul3A_238 = arith.muli %add3A_236, %mul3A_237 : i32
          %add3A_239 = arith.addi %mul3A_31, %mul3A_238 : i32
          %dma_wait3A_240 = arith.constant 0 : i32
          %dma_wait3A_241 = arith.constant 0 : i32
          %dma_wait3A_242 = tpu.memref_slice %arg8[%rem3A_50, %dma_wait3A_240, %dma_wait3A_241] : memref<2x8x128xi32, #tpu.memory_space<vmem>> -> memref<1x8x128xi32, #tpu.memory_space<vmem>>
          %dma_wait3A_243 = tpu.memref_squeeze %dma_wait3A_242 : memref<1x8x128xi32, #tpu.memory_space<vmem>> -> memref<8x128xi32, #tpu.memory_space<vmem>>
          %dma_wait3A_244 = arith.constant 0 : i32
          %dma_wait3A_245 = tpu.memref_slice %arg2[%add3A_239, %dma_wait3A_244] : memref<2560x128xi32, #tpu.memory_space<hbm>> -> memref<8x128xi32, #tpu.memory_space<hbm>>
          %dma_wait3A_246 = arith.constant 0 : i32
          %dma_wait3A_247 = arith.constant 0 : i32
          %dma_wait3A_248 = tpu.memref_slice %arg8[%rem3A_50, %dma_wait3A_246, %dma_wait3A_247] : memref<2x8x128xi32, #tpu.memory_space<vmem>> -> memref<1x8x128xi32, #tpu.memory_space<vmem>>
          %dma_wait3A_249 = tpu.memref_squeeze %dma_wait3A_248 : memref<1x8x128xi32, #tpu.memory_space<vmem>> -> memref<8x128xi32, #tpu.memory_space<vmem>>
          %dma_wait3A_250 = arith.constant 0 : i32
          %dma_wait3A_251 = tpu.memref_slice %arg2[%add3A_239, %dma_wait3A_250] : memref<2560x128xi32, #tpu.memory_space<hbm>> -> memref<8x128xi32, #tpu.memory_space<hbm>>
          tpu.wait_dma2 semaphore(%arg14 : memref<!tpu.dma_semaphore, #tpu.memory_space<semaphore_mem>>) src(%dma_wait3A_251 : memref<8x128xi32, #tpu.memory_space<hbm>>) dst(%dma_wait3A_249 : memref<8x128xi32, #tpu.memory_space<vmem>>)
          %dma_wait3A_252 = arith.constant 0 : i32
          %dma_wait3A_253 = arith.constant 0 : i32
          %dma_wait3A_254 = tpu.memref_slice %arg9[%rem3A_50, %dma_wait3A_252, %dma_wait3A_253] : memref<2x8x128xi32, #tpu.memory_space<vmem>> -> memref<1x8x128xi32, #tpu.memory_space<vmem>>
          %dma_wait3A_255 = tpu.memref_squeeze %dma_wait3A_254 : memref<1x8x128xi32, #tpu.memory_space<vmem>> -> memref<8x128xi32, #tpu.memory_space<vmem>>
          %dma_wait3A_256 = arith.constant 0 : i32
          %dma_wait3A_257 = tpu.memref_slice %arg3[%add3A_239, %dma_wait3A_256] : memref<2560x128xi32, #tpu.memory_space<hbm>> -> memref<8x128xi32, #tpu.memory_space<hbm>>
          %dma_wait3A_258 = arith.constant 0 : i32
          %dma_wait3A_259 = arith.constant 0 : i32
          %dma_wait3A_260 = tpu.memref_slice %arg9[%rem3A_50, %dma_wait3A_258, %dma_wait3A_259] : memref<2x8x128xi32, #tpu.memory_space<vmem>> -> memref<1x8x128xi32, #tpu.memory_space<vmem>>
          %dma_wait3A_261 = tpu.memref_squeeze %dma_wait3A_260 : memref<1x8x128xi32, #tpu.memory_space<vmem>> -> memref<8x128xi32, #tpu.memory_space<vmem>>
          %dma_wait3A_262 = arith.constant 0 : i32
          %dma_wait3A_263 = tpu.memref_slice %arg3[%add3A_239, %dma_wait3A_262] : memref<2560x128xi32, #tpu.memory_space<hbm>> -> memref<8x128xi32, #tpu.memory_space<hbm>>
          tpu.wait_dma2 semaphore(%arg14 : memref<!tpu.dma_semaphore, #tpu.memory_space<semaphore_mem>>) src(%dma_wait3A_263 : memref<8x128xi32, #tpu.memory_space<hbm>>) dst(%dma_wait3A_261 : memref<8x128xi32, #tpu.memory_space<vmem>>)
        } else {
        }
        %add3A_214 = arith.constant 1 : i32
        %add3A_215 = arith.addi %scan3A_45, %add3A_214 : i32
        %lt3A_216 = arith.constant 16 : i32
        %lt3A_217 = arith.cmpi slt, %add3A_215, %lt3A_216 : i32
        %convert_element_type3A_218 = arith.extui %lt3A_217 : i1 to i32
        %cond3A_219 = arith.constant 0 : i32
        %cond3A_220 = arith.cmpi ne, %convert_element_type3A_218, %cond3A_219 : i32
        scf.if %cond3A_220 {
          %dma_start3A_235 = arith.constant 0 : i32
          %dma_start3A_236 = arith.constant 0 : i32
          %dma_start3A_237 = tpu.memref_slice %arg8[%rem3A_50, %dma_start3A_235, %dma_start3A_236] : memref<2x8x128xi32, #tpu.memory_space<vmem>> -> memref<1x1x128xi32, #tpu.memory_space<vmem>>
          %dma_start3A_238 = tpu.memref_squeeze %dma_start3A_237 : memref<1x1x128xi32, #tpu.memory_space<vmem>> -> memref<128xi32, #tpu.memory_space<vmem>>
          %dma_start3A_239 = arith.constant 0 : i32
          %dma_start3A_240 = arith.constant 0 : i32
          %dma_start3A_241 = tpu.memref_slice %arg4[%dma_start3A_239, %dma_start3A_240] : memref<10000x128xf32, #tpu.memory_space<hbm>> -> memref<10000x128xf32, #tpu.memory_space<hbm>>
          tpu.enqueue_indirect_dma source(%dma_start3A_241 : memref<10000x128xf32, #tpu.memory_space<hbm>>) target(%arg10 : memref<128x128xf32, #tpu.memory_space<vmem>>) offsets(%dma_start3A_238 : memref<128xi32, #tpu.memory_space<vmem>>) semaphore(%arg12 : memref<!tpu.dma_semaphore, #tpu.memory_space<semaphore_mem>>)
        } else {
        }
        %dma_wait3A_221 = arith.constant 7 : i32
        %dma_wait3A_222 = arith.constant 0 : i32
        %dma_wait3A_223 = tpu.memref_slice %arg8[%rem3A_46, %dma_wait3A_221, %dma_wait3A_222] : memref<2x8x128xi32, #tpu.memory_space<vmem>> -> memref<1x1x128xi32, #tpu.memory_space<vmem>>
        %dma_wait3A_224 = tpu.memref_squeeze %dma_wait3A_223 : memref<1x1x128xi32, #tpu.memory_space<vmem>> -> memref<128xi32, #tpu.memory_space<vmem>>
        %dma_wait3A_225 = arith.constant 0 : i32
        %dma_wait3A_226 = arith.constant 0 : i32
        %dma_wait3A_227 = tpu.memref_slice %arg4[%dma_wait3A_225, %dma_wait3A_226] : memref<10000x128xf32, #tpu.memory_space<hbm>> -> memref<10000x128xf32, #tpu.memory_space<hbm>>
        tpu.wait_indirect_dma semaphore(%arg12 : memref<!tpu.dma_semaphore, #tpu.memory_space<semaphore_mem>>) src(%dma_wait3A_227 : memref<10000x128xf32, #tpu.memory_space<hbm>>) dst(%arg11 : memref<128x128xf32, #tpu.memory_space<vmem>>)
        %dma_start3A_228 = arith.constant 7 : i32
        %dma_start3A_229 = arith.constant 0 : i32
        %dma_start3A_230 = tpu.memref_slice %arg9[%rem3A_46, %dma_start3A_228, %dma_start3A_229] : memref<2x8x128xi32, #tpu.memory_space<vmem>> -> memref<1x1x128xi32, #tpu.memory_space<vmem>>
        %dma_start3A_231 = tpu.memref_squeeze %dma_start3A_230 : memref<1x1x128xi32, #tpu.memory_space<vmem>> -> memref<128xi32, #tpu.memory_space<vmem>>
        %dma_start3A_232 = arith.constant 0 : i32
        %dma_start3A_233 = arith.constant 0 : i32
        %dma_start3A_234 = tpu.memref_slice %arg7[%dma_start3A_232, %dma_start3A_233] : memref<10240x128xf32, #tpu.memory_space<vmem_shared>> -> memref<10240x128xf32, #tpu.memory_space<vmem_shared>>
        tpu.enqueue_indirect_dma source(%arg11 : memref<128x128xf32, #tpu.memory_space<vmem>>) target(%dma_start3A_234 : memref<10240x128xf32, #tpu.memory_space<vmem_shared>>) offsets(%dma_start3A_231 : memref<128xi32, #tpu.memory_space<vmem>>) semaphore(%arg13 : memref<!tpu.dma_semaphore, #tpu.memory_space<semaphore_mem>>) {add = true}
      }
      %scan3A_44 = arith.constant 16 : i32
      tpu.wait_dma2 semaphore(%arg13 : memref<!tpu.dma_semaphore, #tpu.memory_space<semaphore_mem>>) src(%arg5 : memref<128x128xf32, #tpu.memory_space<hbm>>) dst(%arg10 : memref<128x128xf32, #tpu.memory_space<vmem>>)
    } else {
    }
    %eq3A_20 = arith.constant 1 : i32
    %eq3A_21 = arith.cmpi eq, %arg0, %eq3A_20 : i32
    %convert_element_type3A_22 = arith.extui %eq3A_21 : i1 to i32
    %cond3A_23 = arith.constant 0 : i32
    %cond3A_24 = arith.cmpi ne, %convert_element_type3A_22, %cond3A_23 : i32
    scf.if %cond3A_24 {
      %mul3A_30 = arith.constant 32 : i32
      %mul3A_31 = arith.muli %arg1, %mul3A_30 : i32
      %add3A_32 = arith.constant 2048 : i32
      %add3A_33 = arith.addi %add3A_32, %mul3A_31 : i32
      %run_scoped3A = arith.constant 0 : i32
      "tpu.region"() ({
        %run_scoped3A_47 = tpu.sem_alloc : memref<!tpu.dma_semaphore, #tpu.memory_space<semaphore_mem>>
        %dma_start3A_48 = arith.constant 0 : i32
        %dma_start3A_49 = arith.constant 0 : i32
        %dma_start3A_50 = tpu.memref_slice %arg8[%run_scoped3A, %dma_start3A_48, %dma_start3A_49] : memref<2x8x128xi32, #tpu.memory_space<vmem>> -> memref<1x8x128xi32, #tpu.memory_space<vmem>>
        %dma_start3A_51 = tpu.memref_squeeze %dma_start3A_50 : memref<1x8x128xi32, #tpu.memory_space<vmem>> -> memref<8x128xi32, #tpu.memory_space<vmem>>
        %dma_start3A_52 = arith.constant 0 : i32
        %dma_start3A_53 = tpu.memref_slice %arg2[%add3A_33, %dma_start3A_52] : memref<2560x128xi32, #tpu.memory_space<hbm>> -> memref<8x128xi32, #tpu.memory_space<hbm>>
        %dma_start3A_54 = arith.constant 0 : i32
        %dma_start3A_55 = arith.constant 0 : i32
        %dma_start3A_56 = tpu.memref_slice %arg8[%run_scoped3A, %dma_start3A_54, %dma_start3A_55] : memref<2x8x128xi32, #tpu.memory_space<vmem>> -> memref<1x8x128xi32, #tpu.memory_space<vmem>>
        %dma_start3A_57 = tpu.memref_squeeze %dma_start3A_56 : memref<1x8x128xi32, #tpu.memory_space<vmem>> -> memref<8x128xi32, #tpu.memory_space<vmem>>
        %dma_start3A_58 = arith.constant 0 : i32
        %dma_start3A_59 = tpu.memref_slice %arg2[%add3A_33, %dma_start3A_58] : memref<2560x128xi32, #tpu.memory_space<hbm>> -> memref<8x128xi32, #tpu.memory_space<hbm>>
        tpu.enqueue_dma source(%dma_start3A_59 : memref<8x128xi32, #tpu.memory_space<hbm>>) target(%dma_start3A_57 : memref<8x128xi32, #tpu.memory_space<vmem>>) target_semaphore(%run_scoped3A_47 : memref<!tpu.dma_semaphore, #tpu.memory_space<semaphore_mem>>)
        %dma_wait3A = arith.constant 0 : i32
        %dma_wait3A_60 = arith.constant 0 : i32
        %dma_wait3A_61 = tpu.memref_slice %arg8[%run_scoped3A, %dma_wait3A, %dma_wait3A_60] : memref<2x8x128xi32, #tpu.memory_space<vmem>> -> memref<1x8x128xi32, #tpu.memory_space<vmem>>
        %dma_wait3A_62 = tpu.memref_squeeze %dma_wait3A_61 : memref<1x8x128xi32, #tpu.memory_space<vmem>> -> memref<8x128xi32, #tpu.memory_space<vmem>>
        %dma_wait3A_63 = arith.constant 0 : i32
        %dma_wait3A_64 = tpu.memref_slice %arg2[%add3A_33, %dma_wait3A_63] : memref<2560x128xi32, #tpu.memory_space<hbm>> -> memref<8x128xi32, #tpu.memory_space<hbm>>
        %dma_wait3A_65 = arith.constant 0 : i32
        %dma_wait3A_66 = arith.constant 0 : i32
        %dma_wait3A_67 = tpu.memref_slice %arg8[%run_scoped3A, %dma_wait3A_65, %dma_wait3A_66] : memref<2x8x128xi32, #tpu.memory_space<vmem>> -> memref<1x8x128xi32, #tpu.memory_space<vmem>>
        %dma_wait3A_68 = tpu.memref_squeeze %dma_wait3A_67 : memref<1x8x128xi32, #tpu.memory_space<vmem>> -> memref<8x128xi32, #tpu.memory_space<vmem>>
        %dma_wait3A_69 = arith.constant 0 : i32
        %dma_wait3A_70 = tpu.memref_slice %arg2[%add3A_33, %dma_wait3A_69] : memref<2560x128xi32, #tpu.memory_space<hbm>> -> memref<8x128xi32, #tpu.memory_space<hbm>>
        tpu.wait_dma2 semaphore(%run_scoped3A_47 : memref<!tpu.dma_semaphore, #tpu.memory_space<semaphore_mem>>) src(%dma_wait3A_70 : memref<8x128xi32, #tpu.memory_space<hbm>>) dst(%dma_wait3A_68 : memref<8x128xi32, #tpu.memory_space<vmem>>)
        tpu.yield
      }) : () -> ()
      %run_scoped3A_34 = arith.constant 0 : i32
      "tpu.region"() ({
        %run_scoped3A_47 = tpu.sem_alloc : memref<!tpu.dma_semaphore, #tpu.memory_space<semaphore_mem>>
        %dma_start3A_48 = arith.constant 0 : i32
        %dma_start3A_49 = arith.constant 0 : i32
        %dma_start3A_50 = tpu.memref_slice %arg9[%run_scoped3A_34, %dma_start3A_48, %dma_start3A_49] : memref<2x8x128xi32, #tpu.memory_space<vmem>> -> memref<1x8x128xi32, #tpu.memory_space<vmem>>
        %dma_start3A_51 = tpu.memref_squeeze %dma_start3A_50 : memref<1x8x128xi32, #tpu.memory_space<vmem>> -> memref<8x128xi32, #tpu.memory_space<vmem>>
        %dma_start3A_52 = arith.constant 0 : i32
        %dma_start3A_53 = tpu.memref_slice %arg3[%add3A_33, %dma_start3A_52] : memref<2560x128xi32, #tpu.memory_space<hbm>> -> memref<8x128xi32, #tpu.memory_space<hbm>>
        %dma_start3A_54 = arith.constant 0 : i32
        %dma_start3A_55 = arith.constant 0 : i32
        %dma_start3A_56 = tpu.memref_slice %arg9[%run_scoped3A_34, %dma_start3A_54, %dma_start3A_55] : memref<2x8x128xi32, #tpu.memory_space<vmem>> -> memref<1x8x128xi32, #tpu.memory_space<vmem>>
        %dma_start3A_57 = tpu.memref_squeeze %dma_start3A_56 : memref<1x8x128xi32, #tpu.memory_space<vmem>> -> memref<8x128xi32, #tpu.memory_space<vmem>>
        %dma_start3A_58 = arith.constant 0 : i32
        %dma_start3A_59 = tpu.memref_slice %arg3[%add3A_33, %dma_start3A_58] : memref<2560x128xi32, #tpu.memory_space<hbm>> -> memref<8x128xi32, #tpu.memory_space<hbm>>
        tpu.enqueue_dma source(%dma_start3A_59 : memref<8x128xi32, #tpu.memory_space<hbm>>) target(%dma_start3A_57 : memref<8x128xi32, #tpu.memory_space<vmem>>) target_semaphore(%run_scoped3A_47 : memref<!tpu.dma_semaphore, #tpu.memory_space<semaphore_mem>>)
        %dma_wait3A = arith.constant 0 : i32
        %dma_wait3A_60 = arith.constant 0 : i32
        %dma_wait3A_61 = tpu.memref_slice %arg9[%run_scoped3A_34, %dma_wait3A, %dma_wait3A_60] : memref<2x8x128xi32, #tpu.memory_space<vmem>> -> memref<1x8x128xi32, #tpu.memory_space<vmem>>
        %dma_wait3A_62 = tpu.memref_squeeze %dma_wait3A_61 : memref<1x8x128xi32, #tpu.memory_space<vmem>> -> memref<8x128xi32, #tpu.memory_space<vmem>>
        %dma_wait3A_63 = arith.constant 0 : i32
        %dma_wait3A_64 = tpu.memref_slice %arg3[%add3A_33, %dma_wait3A_63] : memref<2560x128xi32, #tpu.memory_space<hbm>> -> memref<8x128xi32, #tpu.memory_space<hbm>>
        %dma_wait3A_65 = arith.constant 0 : i32
        %dma_wait3A_66 = arith.constant 0 : i32
        %dma_wait3A_67 = tpu.memref_slice %arg9[%run_scoped3A_34, %dma_wait3A_65, %dma_wait3A_66] : memref<2x8x128xi32, #tpu.memory_space<vmem>> -> memref<1x8x128xi32, #tpu.memory_space<vmem>>
        %dma_wait3A_68 = tpu.memref_squeeze %dma_wait3A_67 : memref<1x8x128xi32, #tpu.memory_space<vmem>> -> memref<8x128xi32, #tpu.memory_space<vmem>>
        %dma_wait3A_69 = arith.constant 0 : i32
        %dma_wait3A_70 = tpu.memref_slice %arg3[%add3A_33, %dma_wait3A_69] : memref<2560x128xi32, #tpu.memory_space<hbm>> -> memref<8x128xi32, #tpu.memory_space<hbm>>
        tpu.wait_dma2 semaphore(%run_scoped3A_47 : memref<!tpu.dma_semaphore, #tpu.memory_space<semaphore_mem>>) src(%dma_wait3A_70 : memref<8x128xi32, #tpu.memory_space<hbm>>) dst(%dma_wait3A_68 : memref<8x128xi32, #tpu.memory_space<vmem>>)
        tpu.yield
      }) : () -> ()
      %dma_start3A = arith.constant 0 : i32
      %dma_start3A_35 = arith.constant 0 : i32
      %dma_start3A_36 = arith.constant 0 : i32
      %dma_start3A_37 = tpu.memref_slice %arg8[%dma_start3A, %dma_start3A_35, %dma_start3A_36] : memref<2x8x128xi32, #tpu.memory_space<vmem>> -> memref<1x1x128xi32, #tpu.memory_space<vmem>>
      %dma_start3A_38 = tpu.memref_squeeze %dma_start3A_37 : memref<1x1x128xi32, #tpu.memory_space<vmem>> -> memref<128xi32, #tpu.memory_space<vmem>>
      %dma_start3A_39 = arith.constant 0 : i32
      %dma_start3A_40 = arith.constant 0 : i32
      %dma_start3A_41 = tpu.memref_slice %arg4[%dma_start3A_39, %dma_start3A_40] : memref<10000x128xf32, #tpu.memory_space<hbm>> -> memref<10000x128xf32, #tpu.memory_space<hbm>>
      tpu.enqueue_indirect_dma source(%dma_start3A_41 : memref<10000x128xf32, #tpu.memory_space<hbm>>) target(%arg10 : memref<128x128xf32, #tpu.memory_space<vmem>>) offsets(%dma_start3A_38 : memref<128xi32, #tpu.memory_space<vmem>>) semaphore(%arg12 : memref<!tpu.dma_semaphore, #tpu.memory_space<semaphore_mem>>)
      %scan3A = arith.constant 0 : i32
      %scan3A_42 = arith.constant 0 : i32
      %scan3A_43 = arith.constant 4 : i32
      %scan3A_44 = arith.addi %scan3A_42, %scan3A_43 : i32
      %scan3A_45 = arith.constant 1 : i32
      scf.for %scan3A_47 = %scan3A_42 to %scan3A_44 step %scan3A_45  : i32 {
        %rem3A = arith.constant 2 : i32
        %rem3A_48 = arith.remsi %scan3A_47, %rem3A : i32
        %add3A_49 = arith.constant 1 : i32
        %add3A_50 = arith.addi %scan3A_47, %add3A_49 : i32
        %rem3A_51 = arith.constant 2 : i32
        %rem3A_52 = arith.remsi %add3A_50, %rem3A_51 : i32
        %gt3A = arith.constant 0 : i32
        %gt3A_53 = arith.cmpi sgt, %scan3A_47, %gt3A : i32
        %convert_element_type3A_54 = arith.extui %gt3A_53 : i1 to i32
        %cond3A_55 = arith.constant 0 : i32
        %cond3A_56 = arith.cmpi ne, %convert_element_type3A_54, %cond3A_55 : i32
        scf.if %cond3A_56 {
          tpu.wait_dma2 semaphore(%arg13 : memref<!tpu.dma_semaphore, #tpu.memory_space<semaphore_mem>>) src(%arg5 : memref<128x128xf32, #tpu.memory_space<hbm>>) dst(%arg10 : memref<128x128xf32, #tpu.memory_space<vmem>>)
        } else {
        }
        %add3A_57 = arith.constant 1 : i32
        %add3A_58 = arith.addi %scan3A_47, %add3A_57 : i32
        %lt3A = arith.constant 4 : i32
        %lt3A_59 = arith.cmpi slt, %add3A_58, %lt3A : i32
        %convert_element_type3A_60 = arith.extui %lt3A_59 : i1 to i32
        %cond3A_61 = arith.constant 0 : i32
        %cond3A_62 = arith.cmpi ne, %convert_element_type3A_60, %cond3A_61 : i32
        scf.if %cond3A_62 {
          %add3A_237 = arith.constant 1 : i32
          %add3A_238 = arith.addi %scan3A_47, %add3A_237 : i32
          %mul3A_239 = arith.constant 8 : i32
          %mul3A_240 = arith.muli %add3A_238, %mul3A_239 : i32
          %add3A_241 = arith.addi %add3A_33, %mul3A_240 : i32
          %dma_start3A_242 = arith.constant 0 : i32
          %dma_start3A_243 = arith.constant 0 : i32
          %dma_start3A_244 = tpu.memref_slice %arg8[%rem3A_52, %dma_start3A_242, %dma_start3A_243] : memref<2x8x128xi32, #tpu.memory_space<vmem>> -> memref<1x8x128xi32, #tpu.memory_space<vmem>>
          %dma_start3A_245 = tpu.memref_squeeze %dma_start3A_244 : memref<1x8x128xi32, #tpu.memory_space<vmem>> -> memref<8x128xi32, #tpu.memory_space<vmem>>
          %dma_start3A_246 = arith.constant 0 : i32
          %dma_start3A_247 = tpu.memref_slice %arg2[%add3A_241, %dma_start3A_246] : memref<2560x128xi32, #tpu.memory_space<hbm>> -> memref<8x128xi32, #tpu.memory_space<hbm>>
          %dma_start3A_248 = arith.constant 0 : i32
          %dma_start3A_249 = arith.constant 0 : i32
          %dma_start3A_250 = tpu.memref_slice %arg8[%rem3A_52, %dma_start3A_248, %dma_start3A_249] : memref<2x8x128xi32, #tpu.memory_space<vmem>> -> memref<1x8x128xi32, #tpu.memory_space<vmem>>
          %dma_start3A_251 = tpu.memref_squeeze %dma_start3A_250 : memref<1x8x128xi32, #tpu.memory_space<vmem>> -> memref<8x128xi32, #tpu.memory_space<vmem>>
          %dma_start3A_252 = arith.constant 0 : i32
          %dma_start3A_253 = tpu.memref_slice %arg2[%add3A_241, %dma_start3A_252] : memref<2560x128xi32, #tpu.memory_space<hbm>> -> memref<8x128xi32, #tpu.memory_space<hbm>>
          tpu.enqueue_dma source(%dma_start3A_253 : memref<8x128xi32, #tpu.memory_space<hbm>>) target(%dma_start3A_251 : memref<8x128xi32, #tpu.memory_space<vmem>>) target_semaphore(%arg14 : memref<!tpu.dma_semaphore, #tpu.memory_space<semaphore_mem>>)
          %dma_start3A_254 = arith.constant 0 : i32
          %dma_start3A_255 = arith.constant 0 : i32
          %dma_start3A_256 = tpu.memref_slice %arg9[%rem3A_52, %dma_start3A_254, %dma_start3A_255] : memref<2x8x128xi32, #tpu.memory_space<vmem>> -> memref<1x8x128xi32, #tpu.memory_space<vmem>>
          %dma_start3A_257 = tpu.memref_squeeze %dma_start3A_256 : memref<1x8x128xi32, #tpu.memory_space<vmem>> -> memref<8x128xi32, #tpu.memory_space<vmem>>
          %dma_start3A_258 = arith.constant 0 : i32
          %dma_start3A_259 = tpu.memref_slice %arg3[%add3A_241, %dma_start3A_258] : memref<2560x128xi32, #tpu.memory_space<hbm>> -> memref<8x128xi32, #tpu.memory_space<hbm>>
          %dma_start3A_260 = arith.constant 0 : i32
          %dma_start3A_261 = arith.constant 0 : i32
          %dma_start3A_262 = tpu.memref_slice %arg9[%rem3A_52, %dma_start3A_260, %dma_start3A_261] : memref<2x8x128xi32, #tpu.memory_space<vmem>> -> memref<1x8x128xi32, #tpu.memory_space<vmem>>
          %dma_start3A_263 = tpu.memref_squeeze %dma_start3A_262 : memref<1x8x128xi32, #tpu.memory_space<vmem>> -> memref<8x128xi32, #tpu.memory_space<vmem>>
          %dma_start3A_264 = arith.constant 0 : i32
          %dma_start3A_265 = tpu.memref_slice %arg3[%add3A_241, %dma_start3A_264] : memref<2560x128xi32, #tpu.memory_space<hbm>> -> memref<8x128xi32, #tpu.memory_space<hbm>>
          tpu.enqueue_dma source(%dma_start3A_265 : memref<8x128xi32, #tpu.memory_space<hbm>>) target(%dma_start3A_263 : memref<8x128xi32, #tpu.memory_space<vmem>>) target_semaphore(%arg14 : memref<!tpu.dma_semaphore, #tpu.memory_space<semaphore_mem>>)
        } else {
        }
        %dma_start3A_63 = arith.constant 1 : i32
        %dma_start3A_64 = arith.constant 0 : i32
        %dma_start3A_65 = tpu.memref_slice %arg8[%rem3A_48, %dma_start3A_63, %dma_start3A_64] : memref<2x8x128xi32, #tpu.memory_space<vmem>> -> memref<1x1x128xi32, #tpu.memory_space<vmem>>
        %dma_start3A_66 = tpu.memref_squeeze %dma_start3A_65 : memref<1x1x128xi32, #tpu.memory_space<vmem>> -> memref<128xi32, #tpu.memory_space<vmem>>
        %dma_start3A_67 = arith.constant 0 : i32
        %dma_start3A_68 = arith.constant 0 : i32
        %dma_start3A_69 = tpu.memref_slice %arg4[%dma_start3A_67, %dma_start3A_68] : memref<10000x128xf32, #tpu.memory_space<hbm>> -> memref<10000x128xf32, #tpu.memory_space<hbm>>
        tpu.enqueue_indirect_dma source(%dma_start3A_69 : memref<10000x128xf32, #tpu.memory_space<hbm>>) target(%arg11 : memref<128x128xf32, #tpu.memory_space<vmem>>) offsets(%dma_start3A_66 : memref<128xi32, #tpu.memory_space<vmem>>) semaphore(%arg12 : memref<!tpu.dma_semaphore, #tpu.memory_space<semaphore_mem>>)
        %dma_wait3A = arith.constant 0 : i32
        %dma_wait3A_70 = arith.constant 0 : i32
        %dma_wait3A_71 = tpu.memref_slice %arg8[%rem3A_48, %dma_wait3A, %dma_wait3A_70] : memref<2x8x128xi32, #tpu.memory_space<vmem>> -> memref<1x1x128xi32, #tpu.memory_space<vmem>>
        %dma_wait3A_72 = tpu.memref_squeeze %dma_wait3A_71 : memref<1x1x128xi32, #tpu.memory_space<vmem>> -> memref<128xi32, #tpu.memory_space<vmem>>
        %dma_wait3A_73 = arith.constant 0 : i32
        %dma_wait3A_74 = arith.constant 0 : i32
        %dma_wait3A_75 = tpu.memref_slice %arg4[%dma_wait3A_73, %dma_wait3A_74] : memref<10000x128xf32, #tpu.memory_space<hbm>> -> memref<10000x128xf32, #tpu.memory_space<hbm>>
        tpu.wait_indirect_dma semaphore(%arg12 : memref<!tpu.dma_semaphore, #tpu.memory_space<semaphore_mem>>) src(%dma_wait3A_75 : memref<10000x128xf32, #tpu.memory_space<hbm>>) dst(%arg10 : memref<128x128xf32, #tpu.memory_space<vmem>>)
        %dma_start3A_76 = arith.constant 0 : i32
        %dma_start3A_77 = arith.constant 0 : i32
        %dma_start3A_78 = tpu.memref_slice %arg9[%rem3A_48, %dma_start3A_76, %dma_start3A_77] : memref<2x8x128xi32, #tpu.memory_space<vmem>> -> memref<1x1x128xi32, #tpu.memory_space<vmem>>
        %dma_start3A_79 = tpu.memref_squeeze %dma_start3A_78 : memref<1x1x128xi32, #tpu.memory_space<vmem>> -> memref<128xi32, #tpu.memory_space<vmem>>
        %dma_start3A_80 = arith.constant 0 : i32
        %dma_start3A_81 = arith.constant 0 : i32
        %dma_start3A_82 = tpu.memref_slice %arg7[%dma_start3A_80, %dma_start3A_81] : memref<10240x128xf32, #tpu.memory_space<vmem_shared>> -> memref<10240x128xf32, #tpu.memory_space<vmem_shared>>
        tpu.enqueue_indirect_dma source(%arg10 : memref<128x128xf32, #tpu.memory_space<vmem>>) target(%dma_start3A_82 : memref<10240x128xf32, #tpu.memory_space<vmem_shared>>) offsets(%dma_start3A_79 : memref<128xi32, #tpu.memory_space<vmem>>) semaphore(%arg13 : memref<!tpu.dma_semaphore, #tpu.memory_space<semaphore_mem>>) {add = true}
        tpu.wait_dma2 semaphore(%arg13 : memref<!tpu.dma_semaphore, #tpu.memory_space<semaphore_mem>>) src(%arg5 : memref<128x128xf32, #tpu.memory_space<hbm>>) dst(%arg10 : memref<128x128xf32, #tpu.memory_space<vmem>>)
        %dma_start3A_83 = arith.constant 2 : i32
        %dma_start3A_84 = arith.constant 0 : i32
        %dma_start3A_85 = tpu.memref_slice %arg8[%rem3A_48, %dma_start3A_83, %dma_start3A_84] : memref<2x8x128xi32, #tpu.memory_space<vmem>> -> memref<1x1x128xi32, #tpu.memory_space<vmem>>
        %dma_start3A_86 = tpu.memref_squeeze %dma_start3A_85 : memref<1x1x128xi32, #tpu.memory_space<vmem>> -> memref<128xi32, #tpu.memory_space<vmem>>
        %dma_start3A_87 = arith.constant 0 : i32
        %dma_start3A_88 = arith.constant 0 : i32
        %dma_start3A_89 = tpu.memref_slice %arg4[%dma_start3A_87, %dma_start3A_88] : memref<10000x128xf32, #tpu.memory_space<hbm>> -> memref<10000x128xf32, #tpu.memory_space<hbm>>
        tpu.enqueue_indirect_dma source(%dma_start3A_89 : memref<10000x128xf32, #tpu.memory_space<hbm>>) target(%arg10 : memref<128x128xf32, #tpu.memory_space<vmem>>) offsets(%dma_start3A_86 : memref<128xi32, #tpu.memory_space<vmem>>) semaphore(%arg12 : memref<!tpu.dma_semaphore, #tpu.memory_space<semaphore_mem>>)
        %dma_wait3A_90 = arith.constant 1 : i32
        %dma_wait3A_91 = arith.constant 0 : i32
        %dma_wait3A_92 = tpu.memref_slice %arg8[%rem3A_48, %dma_wait3A_90, %dma_wait3A_91] : memref<2x8x128xi32, #tpu.memory_space<vmem>> -> memref<1x1x128xi32, #tpu.memory_space<vmem>>
        %dma_wait3A_93 = tpu.memref_squeeze %dma_wait3A_92 : memref<1x1x128xi32, #tpu.memory_space<vmem>> -> memref<128xi32, #tpu.memory_space<vmem>>
        %dma_wait3A_94 = arith.constant 0 : i32
        %dma_wait3A_95 = arith.constant 0 : i32
        %dma_wait3A_96 = tpu.memref_slice %arg4[%dma_wait3A_94, %dma_wait3A_95] : memref<10000x128xf32, #tpu.memory_space<hbm>> -> memref<10000x128xf32, #tpu.memory_space<hbm>>
        tpu.wait_indirect_dma semaphore(%arg12 : memref<!tpu.dma_semaphore, #tpu.memory_space<semaphore_mem>>) src(%dma_wait3A_96 : memref<10000x128xf32, #tpu.memory_space<hbm>>) dst(%arg11 : memref<128x128xf32, #tpu.memory_space<vmem>>)
        %dma_start3A_97 = arith.constant 1 : i32
        %dma_start3A_98 = arith.constant 0 : i32
        %dma_start3A_99 = tpu.memref_slice %arg9[%rem3A_48, %dma_start3A_97, %dma_start3A_98] : memref<2x8x128xi32, #tpu.memory_space<vmem>> -> memref<1x1x128xi32, #tpu.memory_space<vmem>>
        %dma_start3A_100 = tpu.memref_squeeze %dma_start3A_99 : memref<1x1x128xi32, #tpu.memory_space<vmem>> -> memref<128xi32, #tpu.memory_space<vmem>>
        %dma_start3A_101 = arith.constant 0 : i32
        %dma_start3A_102 = arith.constant 0 : i32
        %dma_start3A_103 = tpu.memref_slice %arg7[%dma_start3A_101, %dma_start3A_102] : memref<10240x128xf32, #tpu.memory_space<vmem_shared>> -> memref<10240x128xf32, #tpu.memory_space<vmem_shared>>
        tpu.enqueue_indirect_dma source(%arg11 : memref<128x128xf32, #tpu.memory_space<vmem>>) target(%dma_start3A_103 : memref<10240x128xf32, #tpu.memory_space<vmem_shared>>) offsets(%dma_start3A_100 : memref<128xi32, #tpu.memory_space<vmem>>) semaphore(%arg13 : memref<!tpu.dma_semaphore, #tpu.memory_space<semaphore_mem>>) {add = true}
        tpu.wait_dma2 semaphore(%arg13 : memref<!tpu.dma_semaphore, #tpu.memory_space<semaphore_mem>>) src(%arg5 : memref<128x128xf32, #tpu.memory_space<hbm>>) dst(%arg10 : memref<128x128xf32, #tpu.memory_space<vmem>>)
        %dma_start3A_104 = arith.constant 3 : i32
        %dma_start3A_105 = arith.constant 0 : i32
        %dma_start3A_106 = tpu.memref_slice %arg8[%rem3A_48, %dma_start3A_104, %dma_start3A_105] : memref<2x8x128xi32, #tpu.memory_space<vmem>> -> memref<1x1x128xi32, #tpu.memory_space<vmem>>
        %dma_start3A_107 = tpu.memref_squeeze %dma_start3A_106 : memref<1x1x128xi32, #tpu.memory_space<vmem>> -> memref<128xi32, #tpu.memory_space<vmem>>
        %dma_start3A_108 = arith.constant 0 : i32
        %dma_start3A_109 = arith.constant 0 : i32
        %dma_start3A_110 = tpu.memref_slice %arg4[%dma_start3A_108, %dma_start3A_109] : memref<10000x128xf32, #tpu.memory_space<hbm>> -> memref<10000x128xf32, #tpu.memory_space<hbm>>
        tpu.enqueue_indirect_dma source(%dma_start3A_110 : memref<10000x128xf32, #tpu.memory_space<hbm>>) target(%arg11 : memref<128x128xf32, #tpu.memory_space<vmem>>) offsets(%dma_start3A_107 : memref<128xi32, #tpu.memory_space<vmem>>) semaphore(%arg12 : memref<!tpu.dma_semaphore, #tpu.memory_space<semaphore_mem>>)
        %dma_wait3A_111 = arith.constant 2 : i32
        %dma_wait3A_112 = arith.constant 0 : i32
        %dma_wait3A_113 = tpu.memref_slice %arg8[%rem3A_48, %dma_wait3A_111, %dma_wait3A_112] : memref<2x8x128xi32, #tpu.memory_space<vmem>> -> memref<1x1x128xi32, #tpu.memory_space<vmem>>
        %dma_wait3A_114 = tpu.memref_squeeze %dma_wait3A_113 : memref<1x1x128xi32, #tpu.memory_space<vmem>> -> memref<128xi32, #tpu.memory_space<vmem>>
        %dma_wait3A_115 = arith.constant 0 : i32
        %dma_wait3A_116 = arith.constant 0 : i32
        %dma_wait3A_117 = tpu.memref_slice %arg4[%dma_wait3A_115, %dma_wait3A_116] : memref<10000x128xf32, #tpu.memory_space<hbm>> -> memref<10000x128xf32, #tpu.memory_space<hbm>>
        tpu.wait_indirect_dma semaphore(%arg12 : memref<!tpu.dma_semaphore, #tpu.memory_space<semaphore_mem>>) src(%dma_wait3A_117 : memref<10000x128xf32, #tpu.memory_space<hbm>>) dst(%arg10 : memref<128x128xf32, #tpu.memory_space<vmem>>)
        %dma_start3A_118 = arith.constant 2 : i32
        %dma_start3A_119 = arith.constant 0 : i32
        %dma_start3A_120 = tpu.memref_slice %arg9[%rem3A_48, %dma_start3A_118, %dma_start3A_119] : memref<2x8x128xi32, #tpu.memory_space<vmem>> -> memref<1x1x128xi32, #tpu.memory_space<vmem>>
        %dma_start3A_121 = tpu.memref_squeeze %dma_start3A_120 : memref<1x1x128xi32, #tpu.memory_space<vmem>> -> memref<128xi32, #tpu.memory_space<vmem>>
        %dma_start3A_122 = arith.constant 0 : i32
        %dma_start3A_123 = arith.constant 0 : i32
        %dma_start3A_124 = tpu.memref_slice %arg7[%dma_start3A_122, %dma_start3A_123] : memref<10240x128xf32, #tpu.memory_space<vmem_shared>> -> memref<10240x128xf32, #tpu.memory_space<vmem_shared>>
        tpu.enqueue_indirect_dma source(%arg10 : memref<128x128xf32, #tpu.memory_space<vmem>>) target(%dma_start3A_124 : memref<10240x128xf32, #tpu.memory_space<vmem_shared>>) offsets(%dma_start3A_121 : memref<128xi32, #tpu.memory_space<vmem>>) semaphore(%arg13 : memref<!tpu.dma_semaphore, #tpu.memory_space<semaphore_mem>>) {add = true}
        tpu.wait_dma2 semaphore(%arg13 : memref<!tpu.dma_semaphore, #tpu.memory_space<semaphore_mem>>) src(%arg5 : memref<128x128xf32, #tpu.memory_space<hbm>>) dst(%arg10 : memref<128x128xf32, #tpu.memory_space<vmem>>)
        %dma_start3A_125 = arith.constant 4 : i32
        %dma_start3A_126 = arith.constant 0 : i32
        %dma_start3A_127 = tpu.memref_slice %arg8[%rem3A_48, %dma_start3A_125, %dma_start3A_126] : memref<2x8x128xi32, #tpu.memory_space<vmem>> -> memref<1x1x128xi32, #tpu.memory_space<vmem>>
        %dma_start3A_128 = tpu.memref_squeeze %dma_start3A_127 : memref<1x1x128xi32, #tpu.memory_space<vmem>> -> memref<128xi32, #tpu.memory_space<vmem>>
        %dma_start3A_129 = arith.constant 0 : i32
        %dma_start3A_130 = arith.constant 0 : i32
        %dma_start3A_131 = tpu.memref_slice %arg4[%dma_start3A_129, %dma_start3A_130] : memref<10000x128xf32, #tpu.memory_space<hbm>> -> memref<10000x128xf32, #tpu.memory_space<hbm>>
        tpu.enqueue_indirect_dma source(%dma_start3A_131 : memref<10000x128xf32, #tpu.memory_space<hbm>>) target(%arg10 : memref<128x128xf32, #tpu.memory_space<vmem>>) offsets(%dma_start3A_128 : memref<128xi32, #tpu.memory_space<vmem>>) semaphore(%arg12 : memref<!tpu.dma_semaphore, #tpu.memory_space<semaphore_mem>>)
        %dma_wait3A_132 = arith.constant 3 : i32
        %dma_wait3A_133 = arith.constant 0 : i32
        %dma_wait3A_134 = tpu.memref_slice %arg8[%rem3A_48, %dma_wait3A_132, %dma_wait3A_133] : memref<2x8x128xi32, #tpu.memory_space<vmem>> -> memref<1x1x128xi32, #tpu.memory_space<vmem>>
        %dma_wait3A_135 = tpu.memref_squeeze %dma_wait3A_134 : memref<1x1x128xi32, #tpu.memory_space<vmem>> -> memref<128xi32, #tpu.memory_space<vmem>>
        %dma_wait3A_136 = arith.constant 0 : i32
        %dma_wait3A_137 = arith.constant 0 : i32
        %dma_wait3A_138 = tpu.memref_slice %arg4[%dma_wait3A_136, %dma_wait3A_137] : memref<10000x128xf32, #tpu.memory_space<hbm>> -> memref<10000x128xf32, #tpu.memory_space<hbm>>
        tpu.wait_indirect_dma semaphore(%arg12 : memref<!tpu.dma_semaphore, #tpu.memory_space<semaphore_mem>>) src(%dma_wait3A_138 : memref<10000x128xf32, #tpu.memory_space<hbm>>) dst(%arg11 : memref<128x128xf32, #tpu.memory_space<vmem>>)
        %dma_start3A_139 = arith.constant 3 : i32
        %dma_start3A_140 = arith.constant 0 : i32
        %dma_start3A_141 = tpu.memref_slice %arg9[%rem3A_48, %dma_start3A_139, %dma_start3A_140] : memref<2x8x128xi32, #tpu.memory_space<vmem>> -> memref<1x1x128xi32, #tpu.memory_space<vmem>>
        %dma_start3A_142 = tpu.memref_squeeze %dma_start3A_141 : memref<1x1x128xi32, #tpu.memory_space<vmem>> -> memref<128xi32, #tpu.memory_space<vmem>>
        %dma_start3A_143 = arith.constant 0 : i32
        %dma_start3A_144 = arith.constant 0 : i32
        %dma_start3A_145 = tpu.memref_slice %arg7[%dma_start3A_143, %dma_start3A_144] : memref<10240x128xf32, #tpu.memory_space<vmem_shared>> -> memref<10240x128xf32, #tpu.memory_space<vmem_shared>>
        tpu.enqueue_indirect_dma source(%arg11 : memref<128x128xf32, #tpu.memory_space<vmem>>) target(%dma_start3A_145 : memref<10240x128xf32, #tpu.memory_space<vmem_shared>>) offsets(%dma_start3A_142 : memref<128xi32, #tpu.memory_space<vmem>>) semaphore(%arg13 : memref<!tpu.dma_semaphore, #tpu.memory_space<semaphore_mem>>) {add = true}
        tpu.wait_dma2 semaphore(%arg13 : memref<!tpu.dma_semaphore, #tpu.memory_space<semaphore_mem>>) src(%arg5 : memref<128x128xf32, #tpu.memory_space<hbm>>) dst(%arg10 : memref<128x128xf32, #tpu.memory_space<vmem>>)
        %dma_start3A_146 = arith.constant 5 : i32
        %dma_start3A_147 = arith.constant 0 : i32
        %dma_start3A_148 = tpu.memref_slice %arg8[%rem3A_48, %dma_start3A_146, %dma_start3A_147] : memref<2x8x128xi32, #tpu.memory_space<vmem>> -> memref<1x1x128xi32, #tpu.memory_space<vmem>>
        %dma_start3A_149 = tpu.memref_squeeze %dma_start3A_148 : memref<1x1x128xi32, #tpu.memory_space<vmem>> -> memref<128xi32, #tpu.memory_space<vmem>>
        %dma_start3A_150 = arith.constant 0 : i32
        %dma_start3A_151 = arith.constant 0 : i32
        %dma_start3A_152 = tpu.memref_slice %arg4[%dma_start3A_150, %dma_start3A_151] : memref<10000x128xf32, #tpu.memory_space<hbm>> -> memref<10000x128xf32, #tpu.memory_space<hbm>>
        tpu.enqueue_indirect_dma source(%dma_start3A_152 : memref<10000x128xf32, #tpu.memory_space<hbm>>) target(%arg11 : memref<128x128xf32, #tpu.memory_space<vmem>>) offsets(%dma_start3A_149 : memref<128xi32, #tpu.memory_space<vmem>>) semaphore(%arg12 : memref<!tpu.dma_semaphore, #tpu.memory_space<semaphore_mem>>)
        %dma_wait3A_153 = arith.constant 4 : i32
        %dma_wait3A_154 = arith.constant 0 : i32
        %dma_wait3A_155 = tpu.memref_slice %arg8[%rem3A_48, %dma_wait3A_153, %dma_wait3A_154] : memref<2x8x128xi32, #tpu.memory_space<vmem>> -> memref<1x1x128xi32, #tpu.memory_space<vmem>>
        %dma_wait3A_156 = tpu.memref_squeeze %dma_wait3A_155 : memref<1x1x128xi32, #tpu.memory_space<vmem>> -> memref<128xi32, #tpu.memory_space<vmem>>
        %dma_wait3A_157 = arith.constant 0 : i32
        %dma_wait3A_158 = arith.constant 0 : i32
        %dma_wait3A_159 = tpu.memref_slice %arg4[%dma_wait3A_157, %dma_wait3A_158] : memref<10000x128xf32, #tpu.memory_space<hbm>> -> memref<10000x128xf32, #tpu.memory_space<hbm>>
        tpu.wait_indirect_dma semaphore(%arg12 : memref<!tpu.dma_semaphore, #tpu.memory_space<semaphore_mem>>) src(%dma_wait3A_159 : memref<10000x128xf32, #tpu.memory_space<hbm>>) dst(%arg10 : memref<128x128xf32, #tpu.memory_space<vmem>>)
        %dma_start3A_160 = arith.constant 4 : i32
        %dma_start3A_161 = arith.constant 0 : i32
        %dma_start3A_162 = tpu.memref_slice %arg9[%rem3A_48, %dma_start3A_160, %dma_start3A_161] : memref<2x8x128xi32, #tpu.memory_space<vmem>> -> memref<1x1x128xi32, #tpu.memory_space<vmem>>
        %dma_start3A_163 = tpu.memref_squeeze %dma_start3A_162 : memref<1x1x128xi32, #tpu.memory_space<vmem>> -> memref<128xi32, #tpu.memory_space<vmem>>
        %dma_start3A_164 = arith.constant 0 : i32
        %dma_start3A_165 = arith.constant 0 : i32
        %dma_start3A_166 = tpu.memref_slice %arg7[%dma_start3A_164, %dma_start3A_165] : memref<10240x128xf32, #tpu.memory_space<vmem_shared>> -> memref<10240x128xf32, #tpu.memory_space<vmem_shared>>
        tpu.enqueue_indirect_dma source(%arg10 : memref<128x128xf32, #tpu.memory_space<vmem>>) target(%dma_start3A_166 : memref<10240x128xf32, #tpu.memory_space<vmem_shared>>) offsets(%dma_start3A_163 : memref<128xi32, #tpu.memory_space<vmem>>) semaphore(%arg13 : memref<!tpu.dma_semaphore, #tpu.memory_space<semaphore_mem>>) {add = true}
        tpu.wait_dma2 semaphore(%arg13 : memref<!tpu.dma_semaphore, #tpu.memory_space<semaphore_mem>>) src(%arg5 : memref<128x128xf32, #tpu.memory_space<hbm>>) dst(%arg10 : memref<128x128xf32, #tpu.memory_space<vmem>>)
        %dma_start3A_167 = arith.constant 6 : i32
        %dma_start3A_168 = arith.constant 0 : i32
        %dma_start3A_169 = tpu.memref_slice %arg8[%rem3A_48, %dma_start3A_167, %dma_start3A_168] : memref<2x8x128xi32, #tpu.memory_space<vmem>> -> memref<1x1x128xi32, #tpu.memory_space<vmem>>
        %dma_start3A_170 = tpu.memref_squeeze %dma_start3A_169 : memref<1x1x128xi32, #tpu.memory_space<vmem>> -> memref<128xi32, #tpu.memory_space<vmem>>
        %dma_start3A_171 = arith.constant 0 : i32
        %dma_start3A_172 = arith.constant 0 : i32
        %dma_start3A_173 = tpu.memref_slice %arg4[%dma_start3A_171, %dma_start3A_172] : memref<10000x128xf32, #tpu.memory_space<hbm>> -> memref<10000x128xf32, #tpu.memory_space<hbm>>
        tpu.enqueue_indirect_dma source(%dma_start3A_173 : memref<10000x128xf32, #tpu.memory_space<hbm>>) target(%arg10 : memref<128x128xf32, #tpu.memory_space<vmem>>) offsets(%dma_start3A_170 : memref<128xi32, #tpu.memory_space<vmem>>) semaphore(%arg12 : memref<!tpu.dma_semaphore, #tpu.memory_space<semaphore_mem>>)
        %dma_wait3A_174 = arith.constant 5 : i32
        %dma_wait3A_175 = arith.constant 0 : i32
        %dma_wait3A_176 = tpu.memref_slice %arg8[%rem3A_48, %dma_wait3A_174, %dma_wait3A_175] : memref<2x8x128xi32, #tpu.memory_space<vmem>> -> memref<1x1x128xi32, #tpu.memory_space<vmem>>
        %dma_wait3A_177 = tpu.memref_squeeze %dma_wait3A_176 : memref<1x1x128xi32, #tpu.memory_space<vmem>> -> memref<128xi32, #tpu.memory_space<vmem>>
        %dma_wait3A_178 = arith.constant 0 : i32
        %dma_wait3A_179 = arith.constant 0 : i32
        %dma_wait3A_180 = tpu.memref_slice %arg4[%dma_wait3A_178, %dma_wait3A_179] : memref<10000x128xf32, #tpu.memory_space<hbm>> -> memref<10000x128xf32, #tpu.memory_space<hbm>>
        tpu.wait_indirect_dma semaphore(%arg12 : memref<!tpu.dma_semaphore, #tpu.memory_space<semaphore_mem>>) src(%dma_wait3A_180 : memref<10000x128xf32, #tpu.memory_space<hbm>>) dst(%arg11 : memref<128x128xf32, #tpu.memory_space<vmem>>)
        %dma_start3A_181 = arith.constant 5 : i32
        %dma_start3A_182 = arith.constant 0 : i32
        %dma_start3A_183 = tpu.memref_slice %arg9[%rem3A_48, %dma_start3A_181, %dma_start3A_182] : memref<2x8x128xi32, #tpu.memory_space<vmem>> -> memref<1x1x128xi32, #tpu.memory_space<vmem>>
        %dma_start3A_184 = tpu.memref_squeeze %dma_start3A_183 : memref<1x1x128xi32, #tpu.memory_space<vmem>> -> memref<128xi32, #tpu.memory_space<vmem>>
        %dma_start3A_185 = arith.constant 0 : i32
        %dma_start3A_186 = arith.constant 0 : i32
        %dma_start3A_187 = tpu.memref_slice %arg7[%dma_start3A_185, %dma_start3A_186] : memref<10240x128xf32, #tpu.memory_space<vmem_shared>> -> memref<10240x128xf32, #tpu.memory_space<vmem_shared>>
        tpu.enqueue_indirect_dma source(%arg11 : memref<128x128xf32, #tpu.memory_space<vmem>>) target(%dma_start3A_187 : memref<10240x128xf32, #tpu.memory_space<vmem_shared>>) offsets(%dma_start3A_184 : memref<128xi32, #tpu.memory_space<vmem>>) semaphore(%arg13 : memref<!tpu.dma_semaphore, #tpu.memory_space<semaphore_mem>>) {add = true}
        tpu.wait_dma2 semaphore(%arg13 : memref<!tpu.dma_semaphore, #tpu.memory_space<semaphore_mem>>) src(%arg5 : memref<128x128xf32, #tpu.memory_space<hbm>>) dst(%arg10 : memref<128x128xf32, #tpu.memory_space<vmem>>)
        %dma_start3A_188 = arith.constant 7 : i32
        %dma_start3A_189 = arith.constant 0 : i32
        %dma_start3A_190 = tpu.memref_slice %arg8[%rem3A_48, %dma_start3A_188, %dma_start3A_189] : memref<2x8x128xi32, #tpu.memory_space<vmem>> -> memref<1x1x128xi32, #tpu.memory_space<vmem>>
        %dma_start3A_191 = tpu.memref_squeeze %dma_start3A_190 : memref<1x1x128xi32, #tpu.memory_space<vmem>> -> memref<128xi32, #tpu.memory_space<vmem>>
        %dma_start3A_192 = arith.constant 0 : i32
        %dma_start3A_193 = arith.constant 0 : i32
        %dma_start3A_194 = tpu.memref_slice %arg4[%dma_start3A_192, %dma_start3A_193] : memref<10000x128xf32, #tpu.memory_space<hbm>> -> memref<10000x128xf32, #tpu.memory_space<hbm>>
        tpu.enqueue_indirect_dma source(%dma_start3A_194 : memref<10000x128xf32, #tpu.memory_space<hbm>>) target(%arg11 : memref<128x128xf32, #tpu.memory_space<vmem>>) offsets(%dma_start3A_191 : memref<128xi32, #tpu.memory_space<vmem>>) semaphore(%arg12 : memref<!tpu.dma_semaphore, #tpu.memory_space<semaphore_mem>>)
        %dma_wait3A_195 = arith.constant 6 : i32
        %dma_wait3A_196 = arith.constant 0 : i32
        %dma_wait3A_197 = tpu.memref_slice %arg8[%rem3A_48, %dma_wait3A_195, %dma_wait3A_196] : memref<2x8x128xi32, #tpu.memory_space<vmem>> -> memref<1x1x128xi32, #tpu.memory_space<vmem>>
        %dma_wait3A_198 = tpu.memref_squeeze %dma_wait3A_197 : memref<1x1x128xi32, #tpu.memory_space<vmem>> -> memref<128xi32, #tpu.memory_space<vmem>>
        %dma_wait3A_199 = arith.constant 0 : i32
        %dma_wait3A_200 = arith.constant 0 : i32
        %dma_wait3A_201 = tpu.memref_slice %arg4[%dma_wait3A_199, %dma_wait3A_200] : memref<10000x128xf32, #tpu.memory_space<hbm>> -> memref<10000x128xf32, #tpu.memory_space<hbm>>
        tpu.wait_indirect_dma semaphore(%arg12 : memref<!tpu.dma_semaphore, #tpu.memory_space<semaphore_mem>>) src(%dma_wait3A_201 : memref<10000x128xf32, #tpu.memory_space<hbm>>) dst(%arg10 : memref<128x128xf32, #tpu.memory_space<vmem>>)
        %dma_start3A_202 = arith.constant 6 : i32
        %dma_start3A_203 = arith.constant 0 : i32
        %dma_start3A_204 = tpu.memref_slice %arg9[%rem3A_48, %dma_start3A_202, %dma_start3A_203] : memref<2x8x128xi32, #tpu.memory_space<vmem>> -> memref<1x1x128xi32, #tpu.memory_space<vmem>>
        %dma_start3A_205 = tpu.memref_squeeze %dma_start3A_204 : memref<1x1x128xi32, #tpu.memory_space<vmem>> -> memref<128xi32, #tpu.memory_space<vmem>>
        %dma_start3A_206 = arith.constant 0 : i32
        %dma_start3A_207 = arith.constant 0 : i32
        %dma_start3A_208 = tpu.memref_slice %arg7[%dma_start3A_206, %dma_start3A_207] : memref<10240x128xf32, #tpu.memory_space<vmem_shared>> -> memref<10240x128xf32, #tpu.memory_space<vmem_shared>>
        tpu.enqueue_indirect_dma source(%arg10 : memref<128x128xf32, #tpu.memory_space<vmem>>) target(%dma_start3A_208 : memref<10240x128xf32, #tpu.memory_space<vmem_shared>>) offsets(%dma_start3A_205 : memref<128xi32, #tpu.memory_space<vmem>>) semaphore(%arg13 : memref<!tpu.dma_semaphore, #tpu.memory_space<semaphore_mem>>) {add = true}
        tpu.wait_dma2 semaphore(%arg13 : memref<!tpu.dma_semaphore, #tpu.memory_space<semaphore_mem>>) src(%arg5 : memref<128x128xf32, #tpu.memory_space<hbm>>) dst(%arg10 : memref<128x128xf32, #tpu.memory_space<vmem>>)
        %add3A_209 = arith.constant 1 : i32
        %add3A_210 = arith.addi %scan3A_47, %add3A_209 : i32
        %lt3A_211 = arith.constant 4 : i32
        %lt3A_212 = arith.cmpi slt, %add3A_210, %lt3A_211 : i32
        %convert_element_type3A_213 = arith.extui %lt3A_212 : i1 to i32
        %cond3A_214 = arith.constant 0 : i32
        %cond3A_215 = arith.cmpi ne, %convert_element_type3A_213, %cond3A_214 : i32
        scf.if %cond3A_215 {
          %add3A_237 = arith.constant 1 : i32
          %add3A_238 = arith.addi %scan3A_47, %add3A_237 : i32
          %mul3A_239 = arith.constant 8 : i32
          %mul3A_240 = arith.muli %add3A_238, %mul3A_239 : i32
          %add3A_241 = arith.addi %add3A_33, %mul3A_240 : i32
          %dma_wait3A_242 = arith.constant 0 : i32
          %dma_wait3A_243 = arith.constant 0 : i32
          %dma_wait3A_244 = tpu.memref_slice %arg8[%rem3A_52, %dma_wait3A_242, %dma_wait3A_243] : memref<2x8x128xi32, #tpu.memory_space<vmem>> -> memref<1x8x128xi32, #tpu.memory_space<vmem>>
          %dma_wait3A_245 = tpu.memref_squeeze %dma_wait3A_244 : memref<1x8x128xi32, #tpu.memory_space<vmem>> -> memref<8x128xi32, #tpu.memory_space<vmem>>
          %dma_wait3A_246 = arith.constant 0 : i32
          %dma_wait3A_247 = tpu.memref_slice %arg2[%add3A_241, %dma_wait3A_246] : memref<2560x128xi32, #tpu.memory_space<hbm>> -> memref<8x128xi32, #tpu.memory_space<hbm>>
          %dma_wait3A_248 = arith.constant 0 : i32
          %dma_wait3A_249 = arith.constant 0 : i32
          %dma_wait3A_250 = tpu.memref_slice %arg8[%rem3A_52, %dma_wait3A_248, %dma_wait3A_249] : memref<2x8x128xi32, #tpu.memory_space<vmem>> -> memref<1x8x128xi32, #tpu.memory_space<vmem>>
          %dma_wait3A_251 = tpu.memref_squeeze %dma_wait3A_250 : memref<1x8x128xi32, #tpu.memory_space<vmem>> -> memref<8x128xi32, #tpu.memory_space<vmem>>
          %dma_wait3A_252 = arith.constant 0 : i32
          %dma_wait3A_253 = tpu.memref_slice %arg2[%add3A_241, %dma_wait3A_252] : memref<2560x128xi32, #tpu.memory_space<hbm>> -> memref<8x128xi32, #tpu.memory_space<hbm>>
          tpu.wait_dma2 semaphore(%arg14 : memref<!tpu.dma_semaphore, #tpu.memory_space<semaphore_mem>>) src(%dma_wait3A_253 : memref<8x128xi32, #tpu.memory_space<hbm>>) dst(%dma_wait3A_251 : memref<8x128xi32, #tpu.memory_space<vmem>>)
          %dma_wait3A_254 = arith.constant 0 : i32
          %dma_wait3A_255 = arith.constant 0 : i32
          %dma_wait3A_256 = tpu.memref_slice %arg9[%rem3A_52, %dma_wait3A_254, %dma_wait3A_255] : memref<2x8x128xi32, #tpu.memory_space<vmem>> -> memref<1x8x128xi32, #tpu.memory_space<vmem>>
          %dma_wait3A_257 = tpu.memref_squeeze %dma_wait3A_256 : memref<1x8x128xi32, #tpu.memory_space<vmem>> -> memref<8x128xi32, #tpu.memory_space<vmem>>
          %dma_wait3A_258 = arith.constant 0 : i32
          %dma_wait3A_259 = tpu.memref_slice %arg3[%add3A_241, %dma_wait3A_258] : memref<2560x128xi32, #tpu.memory_space<hbm>> -> memref<8x128xi32, #tpu.memory_space<hbm>>
          %dma_wait3A_260 = arith.constant 0 : i32
          %dma_wait3A_261 = arith.constant 0 : i32
          %dma_wait3A_262 = tpu.memref_slice %arg9[%rem3A_52, %dma_wait3A_260, %dma_wait3A_261] : memref<2x8x128xi32, #tpu.memory_space<vmem>> -> memref<1x8x128xi32, #tpu.memory_space<vmem>>
          %dma_wait3A_263 = tpu.memref_squeeze %dma_wait3A_262 : memref<1x8x128xi32, #tpu.memory_space<vmem>> -> memref<8x128xi32, #tpu.memory_space<vmem>>
          %dma_wait3A_264 = arith.constant 0 : i32
          %dma_wait3A_265 = tpu.memref_slice %arg3[%add3A_241, %dma_wait3A_264] : memref<2560x128xi32, #tpu.memory_space<hbm>> -> memref<8x128xi32, #tpu.memory_space<hbm>>
          tpu.wait_dma2 semaphore(%arg14 : memref<!tpu.dma_semaphore, #tpu.memory_space<semaphore_mem>>) src(%dma_wait3A_265 : memref<8x128xi32, #tpu.memory_space<hbm>>) dst(%dma_wait3A_263 : memref<8x128xi32, #tpu.memory_space<vmem>>)
        } else {
        }
        %add3A_216 = arith.constant 1 : i32
        %add3A_217 = arith.addi %scan3A_47, %add3A_216 : i32
        %lt3A_218 = arith.constant 4 : i32
        %lt3A_219 = arith.cmpi slt, %add3A_217, %lt3A_218 : i32
        %convert_element_type3A_220 = arith.extui %lt3A_219 : i1 to i32
        %cond3A_221 = arith.constant 0 : i32
        %cond3A_222 = arith.cmpi ne, %convert_element_type3A_220, %cond3A_221 : i32
        scf.if %cond3A_222 {
          %dma_start3A_237 = arith.constant 0 : i32
          %dma_start3A_238 = arith.constant 0 : i32
          %dma_start3A_239 = tpu.memref_slice %arg8[%rem3A_52, %dma_start3A_237, %dma_start3A_238] : memref<2x8x128xi32, #tpu.memory_space<vmem>> -> memref<1x1x128xi32, #tpu.memory_space<vmem>>
          %dma_start3A_240 = tpu.memref_squeeze %dma_start3A_239 : memref<1x1x128xi32, #tpu.memory_space<vmem>> -> memref<128xi32, #tpu.memory_space<vmem>>
          %dma_start3A_241 = arith.constant 0 : i32
          %dma_start3A_242 = arith.constant 0 : i32
          %dma_start3A_243 = tpu.memref_slice %arg4[%dma_start3A_241, %dma_start3A_242] : memref<10000x128xf32, #tpu.memory_space<hbm>> -> memref<10000x128xf32, #tpu.memory_space<hbm>>
          tpu.enqueue_indirect_dma source(%dma_start3A_243 : memref<10000x128xf32, #tpu.memory_space<hbm>>) target(%arg10 : memref<128x128xf32, #tpu.memory_space<vmem>>) offsets(%dma_start3A_240 : memref<128xi32, #tpu.memory_space<vmem>>) semaphore(%arg12 : memref<!tpu.dma_semaphore, #tpu.memory_space<semaphore_mem>>)
        } else {
        }
        %dma_wait3A_223 = arith.constant 7 : i32
        %dma_wait3A_224 = arith.constant 0 : i32
        %dma_wait3A_225 = tpu.memref_slice %arg8[%rem3A_48, %dma_wait3A_223, %dma_wait3A_224] : memref<2x8x128xi32, #tpu.memory_space<vmem>> -> memref<1x1x128xi32, #tpu.memory_space<vmem>>
        %dma_wait3A_226 = tpu.memref_squeeze %dma_wait3A_225 : memref<1x1x128xi32, #tpu.memory_space<vmem>> -> memref<128xi32, #tpu.memory_space<vmem>>
        %dma_wait3A_227 = arith.constant 0 : i32
        %dma_wait3A_228 = arith.constant 0 : i32
        %dma_wait3A_229 = tpu.memref_slice %arg4[%dma_wait3A_227, %dma_wait3A_228] : memref<10000x128xf32, #tpu.memory_space<hbm>> -> memref<10000x128xf32, #tpu.memory_space<hbm>>
        tpu.wait_indirect_dma semaphore(%arg12 : memref<!tpu.dma_semaphore, #tpu.memory_space<semaphore_mem>>) src(%dma_wait3A_229 : memref<10000x128xf32, #tpu.memory_space<hbm>>) dst(%arg11 : memref<128x128xf32, #tpu.memory_space<vmem>>)
        %dma_start3A_230 = arith.constant 7 : i32
        %dma_start3A_231 = arith.constant 0 : i32
        %dma_start3A_232 = tpu.memref_slice %arg9[%rem3A_48, %dma_start3A_230, %dma_start3A_231] : memref<2x8x128xi32, #tpu.memory_space<vmem>> -> memref<1x1x128xi32, #tpu.memory_space<vmem>>
        %dma_start3A_233 = tpu.memref_squeeze %dma_start3A_232 : memref<1x1x128xi32, #tpu.memory_space<vmem>> -> memref<128xi32, #tpu.memory_space<vmem>>
        %dma_start3A_234 = arith.constant 0 : i32
        %dma_start3A_235 = arith.constant 0 : i32
        %dma_start3A_236 = tpu.memref_slice %arg7[%dma_start3A_234, %dma_start3A_235] : memref<10240x128xf32, #tpu.memory_space<vmem_shared>> -> memref<10240x128xf32, #tpu.memory_space<vmem_shared>>
        tpu.enqueue_indirect_dma source(%arg11 : memref<128x128xf32, #tpu.memory_space<vmem>>) target(%dma_start3A_236 : memref<10240x128xf32, #tpu.memory_space<vmem_shared>>) offsets(%dma_start3A_233 : memref<128xi32, #tpu.memory_space<vmem>>) semaphore(%arg13 : memref<!tpu.dma_semaphore, #tpu.memory_space<semaphore_mem>>) {add = true}
      }
      %scan3A_46 = arith.constant 4 : i32
      tpu.wait_dma2 semaphore(%arg13 : memref<!tpu.dma_semaphore, #tpu.memory_space<semaphore_mem>>) src(%arg5 : memref<128x128xf32, #tpu.memory_space<hbm>>) dst(%arg10 : memref<128x128xf32, #tpu.memory_space<vmem>>)
    } else {
    }
    %barrier3A_25 = arith.constant 0 : index
    tpu.barrier barrier_id(%barrier3A_25)
    %mul3A_26 = arith.constant 640 : i32
    %mul3A_27 = arith.muli %arg1, %mul3A_26 : i32
    %mul3A_28 = arith.constant 640 : i32
    %mul3A_29 = arith.muli %arg1, %mul3A_28 : i32
    "tpu.region"() ({
      %run_scoped3A = tpu.sem_alloc : memref<!tpu.dma_semaphore, #tpu.memory_space<semaphore_mem>>
      %dma_start3A = arith.constant 0 : i32
      %dma_start3A_30 = tpu.memref_slice %arg6[%arg0, %mul3A_29, %dma_start3A] : memref<2x10240x128xf32, #tpu.memory_space<hbm>> -> memref<1x640x128xf32, #tpu.memory_space<hbm>>
      %dma_start3A_31 = tpu.memref_squeeze %dma_start3A_30 : memref<1x640x128xf32, #tpu.memory_space<hbm>> -> memref<640x128xf32, #tpu.memory_space<hbm>>
      %dma_start3A_32 = arith.constant 0 : i32
      %dma_start3A_33 = tpu.memref_slice %arg7[%mul3A_27, %dma_start3A_32] : memref<10240x128xf32, #tpu.memory_space<vmem_shared>> -> memref<640x128xf32, #tpu.memory_space<vmem_shared>>
      tpu.enqueue_dma source(%dma_start3A_33 : memref<640x128xf32, #tpu.memory_space<vmem_shared>>) target(%dma_start3A_31 : memref<640x128xf32, #tpu.memory_space<hbm>>) target_semaphore(%run_scoped3A : memref<!tpu.dma_semaphore, #tpu.memory_space<semaphore_mem>>)
      %dma_wait3A = arith.constant 0 : i32
      %dma_wait3A_34 = tpu.memref_slice %arg6[%arg0, %mul3A_29, %dma_wait3A] : memref<2x10240x128xf32, #tpu.memory_space<hbm>> -> memref<1x640x128xf32, #tpu.memory_space<hbm>>
      %dma_wait3A_35 = tpu.memref_squeeze %dma_wait3A_34 : memref<1x640x128xf32, #tpu.memory_space<hbm>> -> memref<640x128xf32, #tpu.memory_space<hbm>>
      %dma_wait3A_36 = arith.constant 0 : i32
      %dma_wait3A_37 = tpu.memref_slice %arg7[%mul3A_27, %dma_wait3A_36] : memref<10240x128xf32, #tpu.memory_space<vmem_shared>> -> memref<640x128xf32, #tpu.memory_space<vmem_shared>>
      tpu.wait_dma2 semaphore(%run_scoped3A : memref<!tpu.dma_semaphore, #tpu.memory_space<semaphore_mem>>) src(%dma_wait3A_37 : memref<640x128xf32, #tpu.memory_space<vmem_shared>>) dst(%dma_wait3A_35 : memref<640x128xf32, #tpu.memory_space<hbm>>)
      tpu.yield
    }) : () -> ()
    return
  }
}

#map = affine_map<(d0, d1) -> (0, 0)>
#map1 = affine_map<(d0, d1) -> (0, 0, 0)>
module attributes {stable_mosaic.version = 14 : i64} {
  func.func @_deg_body(%arg0: i32, %arg1: i32, %arg2: memref<2560x128xi32, #tpu.memory_space<hbm>>, %arg3: memref<128x8xf32, #tpu.memory_space<hbm>>, %arg4: memref<640x8xf32, #tpu.memory_space<hbm>>, %arg5: memref<2x10240x8xf32, #tpu.memory_space<hbm>>, %arg6: memref<10240x8xf32, #tpu.memory_space<vmem_shared>>, %arg7: memref<8x128xi32, #tpu.memory_space<vmem>>, %arg8: memref<128x8xf32, #tpu.memory_space<vmem>>, %arg9: memref<!tpu.dma_semaphore, #tpu.memory_space<semaphore_mem>>) attributes {dimension_semantics = [#tpu.dimension_semantics<core_parallel>, #tpu.dimension_semantics<subcore_parallel>], iteration_bounds = array<i64: 2, 16>, scalar_prefetch = 0 : i64, scratch_operands = 4 : i64, tpu.core_type = #tpu.core_type<sc_vector_subcore>, window_params = [{transform_indices = #map}, {transform_indices = #map}, {transform_indices = #map}, {transform_indices = #map1}]} {
    %mul3A = arith.constant 16 : i32
    %mul3A_0 = arith.muli %arg0, %mul3A : i32
    %add3A = arith.addi %mul3A_0, %arg1 : i32
    %mul3A_1 = arith.constant 640 : i32
    %mul3A_2 = arith.muli %arg1, %mul3A_1 : i32
    "tpu.region"() ({
      %run_scoped3A = tpu.sem_alloc : memref<!tpu.dma_semaphore, #tpu.memory_space<semaphore_mem>>
      %dma_start3A = arith.constant 0 : i32
      %dma_start3A_15 = tpu.memref_slice %arg6[%mul3A_2, %dma_start3A] : memref<10240x8xf32, #tpu.memory_space<vmem_shared>> -> memref<640x8xf32, #tpu.memory_space<vmem_shared>>
      tpu.enqueue_dma source(%arg4 : memref<640x8xf32, #tpu.memory_space<hbm>>) target(%dma_start3A_15 : memref<640x8xf32, #tpu.memory_space<vmem_shared>>) target_semaphore(%run_scoped3A : memref<!tpu.dma_semaphore, #tpu.memory_space<semaphore_mem>>)
      %dma_wait3A = arith.constant 0 : i32
      %dma_wait3A_16 = tpu.memref_slice %arg6[%mul3A_2, %dma_wait3A] : memref<10240x8xf32, #tpu.memory_space<vmem_shared>> -> memref<640x8xf32, #tpu.memory_space<vmem_shared>>
      tpu.wait_dma2 semaphore(%run_scoped3A : memref<!tpu.dma_semaphore, #tpu.memory_space<semaphore_mem>>) src(%arg4 : memref<640x8xf32, #tpu.memory_space<hbm>>) dst(%dma_wait3A_16 : memref<640x8xf32, #tpu.memory_space<vmem_shared>>)
      tpu.yield
    }) : () -> ()
    "tpu.region"() ({
      %run_scoped3A = tpu.sem_alloc : memref<!tpu.dma_semaphore, #tpu.memory_space<semaphore_mem>>
      tpu.enqueue_dma source(%arg3 : memref<128x8xf32, #tpu.memory_space<hbm>>) target(%arg8 : memref<128x8xf32, #tpu.memory_space<vmem>>) target_semaphore(%run_scoped3A : memref<!tpu.dma_semaphore, #tpu.memory_space<semaphore_mem>>)
      tpu.wait_dma2 semaphore(%run_scoped3A : memref<!tpu.dma_semaphore, #tpu.memory_space<semaphore_mem>>) src(%arg3 : memref<128x8xf32, #tpu.memory_space<hbm>>) dst(%arg8 : memref<128x8xf32, #tpu.memory_space<vmem>>)
      tpu.yield
    }) : () -> ()
    %barrier3A = arith.constant 0 : index
    tpu.barrier barrier_id(%barrier3A)
    %mul3A_3 = arith.constant 80 : i32
    %mul3A_4 = arith.muli %add3A, %mul3A_3 : i32
    %scan3A = arith.constant 0 : i32
    %scan3A_5 = arith.constant 0 : i32
    %scan3A_6 = arith.constant 10 : i32
    %scan3A_7 = arith.addi %scan3A_5, %scan3A_6 : i32
    %scan3A_8 = arith.constant 1 : i32
    scf.for %scan3A_15 = %scan3A_5 to %scan3A_7 step %scan3A_8  : i32 {
      %mul3A_16 = arith.constant 8 : i32
      %mul3A_17 = arith.muli %scan3A_15, %mul3A_16 : i32
      %add3A_18 = arith.addi %mul3A_4, %mul3A_17 : i32
      "tpu.region"() ({
        %run_scoped3A = tpu.sem_alloc : memref<!tpu.dma_semaphore, #tpu.memory_space<semaphore_mem>>
        %dma_start3A_129 = arith.constant 0 : i32
        %dma_start3A_130 = tpu.memref_slice %arg2[%add3A_18, %dma_start3A_129] : memref<2560x128xi32, #tpu.memory_space<hbm>> -> memref<8x128xi32, #tpu.memory_space<hbm>>
        %dma_start3A_131 = arith.constant 0 : i32
        %dma_start3A_132 = tpu.memref_slice %arg2[%add3A_18, %dma_start3A_131] : memref<2560x128xi32, #tpu.memory_space<hbm>> -> memref<8x128xi32, #tpu.memory_space<hbm>>
        tpu.enqueue_dma source(%dma_start3A_132 : memref<8x128xi32, #tpu.memory_space<hbm>>) target(%arg7 : memref<8x128xi32, #tpu.memory_space<vmem>>) target_semaphore(%run_scoped3A : memref<!tpu.dma_semaphore, #tpu.memory_space<semaphore_mem>>)
        %dma_wait3A_133 = arith.constant 0 : i32
        %dma_wait3A_134 = tpu.memref_slice %arg2[%add3A_18, %dma_wait3A_133] : memref<2560x128xi32, #tpu.memory_space<hbm>> -> memref<8x128xi32, #tpu.memory_space<hbm>>
        %dma_wait3A_135 = arith.constant 0 : i32
        %dma_wait3A_136 = tpu.memref_slice %arg2[%add3A_18, %dma_wait3A_135] : memref<2560x128xi32, #tpu.memory_space<hbm>> -> memref<8x128xi32, #tpu.memory_space<hbm>>
        tpu.wait_dma2 semaphore(%run_scoped3A : memref<!tpu.dma_semaphore, #tpu.memory_space<semaphore_mem>>) src(%dma_wait3A_136 : memref<8x128xi32, #tpu.memory_space<hbm>>) dst(%arg7 : memref<8x128xi32, #tpu.memory_space<vmem>>)
        tpu.yield
      }) : () -> ()
      %dma_start3A = arith.constant 0 : i32
      %dma_start3A_19 = arith.constant 0 : i32
      %dma_start3A_20 = tpu.memref_slice %arg7[%dma_start3A, %dma_start3A_19] : memref<8x128xi32, #tpu.memory_space<vmem>> -> memref<1x128xi32, #tpu.memory_space<vmem>>
      %dma_start3A_21 = tpu.memref_squeeze %dma_start3A_20 : memref<1x128xi32, #tpu.memory_space<vmem>> -> memref<128xi32, #tpu.memory_space<vmem>>
      %dma_start3A_22 = arith.constant 0 : i32
      %dma_start3A_23 = arith.constant 0 : i32
      %dma_start3A_24 = tpu.memref_slice %arg6[%dma_start3A_22, %dma_start3A_23] : memref<10240x8xf32, #tpu.memory_space<vmem_shared>> -> memref<10240x8xf32, #tpu.memory_space<vmem_shared>>
      tpu.enqueue_indirect_dma source(%arg8 : memref<128x8xf32, #tpu.memory_space<vmem>>) target(%dma_start3A_24 : memref<10240x8xf32, #tpu.memory_space<vmem_shared>>) offsets(%dma_start3A_21 : memref<128xi32, #tpu.memory_space<vmem>>) semaphore(%arg9 : memref<!tpu.dma_semaphore, #tpu.memory_space<semaphore_mem>>) {add = true}
      %dma_start3A_25 = arith.constant 1 : i32
      %dma_start3A_26 = arith.constant 0 : i32
      %dma_start3A_27 = tpu.memref_slice %arg7[%dma_start3A_25, %dma_start3A_26] : memref<8x128xi32, #tpu.memory_space<vmem>> -> memref<1x128xi32, #tpu.memory_space<vmem>>
      %dma_start3A_28 = tpu.memref_squeeze %dma_start3A_27 : memref<1x128xi32, #tpu.memory_space<vmem>> -> memref<128xi32, #tpu.memory_space<vmem>>
      %dma_start3A_29 = arith.constant 0 : i32
      %dma_start3A_30 = arith.constant 0 : i32
      %dma_start3A_31 = tpu.memref_slice %arg6[%dma_start3A_29, %dma_start3A_30] : memref<10240x8xf32, #tpu.memory_space<vmem_shared>> -> memref<10240x8xf32, #tpu.memory_space<vmem_shared>>
      tpu.enqueue_indirect_dma source(%arg8 : memref<128x8xf32, #tpu.memory_space<vmem>>) target(%dma_start3A_31 : memref<10240x8xf32, #tpu.memory_space<vmem_shared>>) offsets(%dma_start3A_28 : memref<128xi32, #tpu.memory_space<vmem>>) semaphore(%arg9 : memref<!tpu.dma_semaphore, #tpu.memory_space<semaphore_mem>>) {add = true}
      %dma_start3A_32 = arith.constant 2 : i32
      %dma_start3A_33 = arith.constant 0 : i32
      %dma_start3A_34 = tpu.memref_slice %arg7[%dma_start3A_32, %dma_start3A_33] : memref<8x128xi32, #tpu.memory_space<vmem>> -> memref<1x128xi32, #tpu.memory_space<vmem>>
      %dma_start3A_35 = tpu.memref_squeeze %dma_start3A_34 : memref<1x128xi32, #tpu.memory_space<vmem>> -> memref<128xi32, #tpu.memory_space<vmem>>
      %dma_start3A_36 = arith.constant 0 : i32
      %dma_start3A_37 = arith.constant 0 : i32
      %dma_start3A_38 = tpu.memref_slice %arg6[%dma_start3A_36, %dma_start3A_37] : memref<10240x8xf32, #tpu.memory_space<vmem_shared>> -> memref<10240x8xf32, #tpu.memory_space<vmem_shared>>
      tpu.enqueue_indirect_dma source(%arg8 : memref<128x8xf32, #tpu.memory_space<vmem>>) target(%dma_start3A_38 : memref<10240x8xf32, #tpu.memory_space<vmem_shared>>) offsets(%dma_start3A_35 : memref<128xi32, #tpu.memory_space<vmem>>) semaphore(%arg9 : memref<!tpu.dma_semaphore, #tpu.memory_space<semaphore_mem>>) {add = true}
      %dma_start3A_39 = arith.constant 3 : i32
      %dma_start3A_40 = arith.constant 0 : i32
      %dma_start3A_41 = tpu.memref_slice %arg7[%dma_start3A_39, %dma_start3A_40] : memref<8x128xi32, #tpu.memory_space<vmem>> -> memref<1x128xi32, #tpu.memory_space<vmem>>
      %dma_start3A_42 = tpu.memref_squeeze %dma_start3A_41 : memref<1x128xi32, #tpu.memory_space<vmem>> -> memref<128xi32, #tpu.memory_space<vmem>>
      %dma_start3A_43 = arith.constant 0 : i32
      %dma_start3A_44 = arith.constant 0 : i32
      %dma_start3A_45 = tpu.memref_slice %arg6[%dma_start3A_43, %dma_start3A_44] : memref<10240x8xf32, #tpu.memory_space<vmem_shared>> -> memref<10240x8xf32, #tpu.memory_space<vmem_shared>>
      tpu.enqueue_indirect_dma source(%arg8 : memref<128x8xf32, #tpu.memory_space<vmem>>) target(%dma_start3A_45 : memref<10240x8xf32, #tpu.memory_space<vmem_shared>>) offsets(%dma_start3A_42 : memref<128xi32, #tpu.memory_space<vmem>>) semaphore(%arg9 : memref<!tpu.dma_semaphore, #tpu.memory_space<semaphore_mem>>) {add = true}
      %dma_start3A_46 = arith.constant 4 : i32
      %dma_start3A_47 = arith.constant 0 : i32
      %dma_start3A_48 = tpu.memref_slice %arg7[%dma_start3A_46, %dma_start3A_47] : memref<8x128xi32, #tpu.memory_space<vmem>> -> memref<1x128xi32, #tpu.memory_space<vmem>>
      %dma_start3A_49 = tpu.memref_squeeze %dma_start3A_48 : memref<1x128xi32, #tpu.memory_space<vmem>> -> memref<128xi32, #tpu.memory_space<vmem>>
      %dma_start3A_50 = arith.constant 0 : i32
      %dma_start3A_51 = arith.constant 0 : i32
      %dma_start3A_52 = tpu.memref_slice %arg6[%dma_start3A_50, %dma_start3A_51] : memref<10240x8xf32, #tpu.memory_space<vmem_shared>> -> memref<10240x8xf32, #tpu.memory_space<vmem_shared>>
      tpu.enqueue_indirect_dma source(%arg8 : memref<128x8xf32, #tpu.memory_space<vmem>>) target(%dma_start3A_52 : memref<10240x8xf32, #tpu.memory_space<vmem_shared>>) offsets(%dma_start3A_49 : memref<128xi32, #tpu.memory_space<vmem>>) semaphore(%arg9 : memref<!tpu.dma_semaphore, #tpu.memory_space<semaphore_mem>>) {add = true}
      %dma_start3A_53 = arith.constant 5 : i32
      %dma_start3A_54 = arith.constant 0 : i32
      %dma_start3A_55 = tpu.memref_slice %arg7[%dma_start3A_53, %dma_start3A_54] : memref<8x128xi32, #tpu.memory_space<vmem>> -> memref<1x128xi32, #tpu.memory_space<vmem>>
      %dma_start3A_56 = tpu.memref_squeeze %dma_start3A_55 : memref<1x128xi32, #tpu.memory_space<vmem>> -> memref<128xi32, #tpu.memory_space<vmem>>
      %dma_start3A_57 = arith.constant 0 : i32
      %dma_start3A_58 = arith.constant 0 : i32
      %dma_start3A_59 = tpu.memref_slice %arg6[%dma_start3A_57, %dma_start3A_58] : memref<10240x8xf32, #tpu.memory_space<vmem_shared>> -> memref<10240x8xf32, #tpu.memory_space<vmem_shared>>
      tpu.enqueue_indirect_dma source(%arg8 : memref<128x8xf32, #tpu.memory_space<vmem>>) target(%dma_start3A_59 : memref<10240x8xf32, #tpu.memory_space<vmem_shared>>) offsets(%dma_start3A_56 : memref<128xi32, #tpu.memory_space<vmem>>) semaphore(%arg9 : memref<!tpu.dma_semaphore, #tpu.memory_space<semaphore_mem>>) {add = true}
      %dma_start3A_60 = arith.constant 6 : i32
      %dma_start3A_61 = arith.constant 0 : i32
      %dma_start3A_62 = tpu.memref_slice %arg7[%dma_start3A_60, %dma_start3A_61] : memref<8x128xi32, #tpu.memory_space<vmem>> -> memref<1x128xi32, #tpu.memory_space<vmem>>
      %dma_start3A_63 = tpu.memref_squeeze %dma_start3A_62 : memref<1x128xi32, #tpu.memory_space<vmem>> -> memref<128xi32, #tpu.memory_space<vmem>>
      %dma_start3A_64 = arith.constant 0 : i32
      %dma_start3A_65 = arith.constant 0 : i32
      %dma_start3A_66 = tpu.memref_slice %arg6[%dma_start3A_64, %dma_start3A_65] : memref<10240x8xf32, #tpu.memory_space<vmem_shared>> -> memref<10240x8xf32, #tpu.memory_space<vmem_shared>>
      tpu.enqueue_indirect_dma source(%arg8 : memref<128x8xf32, #tpu.memory_space<vmem>>) target(%dma_start3A_66 : memref<10240x8xf32, #tpu.memory_space<vmem_shared>>) offsets(%dma_start3A_63 : memref<128xi32, #tpu.memory_space<vmem>>) semaphore(%arg9 : memref<!tpu.dma_semaphore, #tpu.memory_space<semaphore_mem>>) {add = true}
      %dma_start3A_67 = arith.constant 7 : i32
      %dma_start3A_68 = arith.constant 0 : i32
      %dma_start3A_69 = tpu.memref_slice %arg7[%dma_start3A_67, %dma_start3A_68] : memref<8x128xi32, #tpu.memory_space<vmem>> -> memref<1x128xi32, #tpu.memory_space<vmem>>
      %dma_start3A_70 = tpu.memref_squeeze %dma_start3A_69 : memref<1x128xi32, #tpu.memory_space<vmem>> -> memref<128xi32, #tpu.memory_space<vmem>>
      %dma_start3A_71 = arith.constant 0 : i32
      %dma_start3A_72 = arith.constant 0 : i32
      %dma_start3A_73 = tpu.memref_slice %arg6[%dma_start3A_71, %dma_start3A_72] : memref<10240x8xf32, #tpu.memory_space<vmem_shared>> -> memref<10240x8xf32, #tpu.memory_space<vmem_shared>>
      tpu.enqueue_indirect_dma source(%arg8 : memref<128x8xf32, #tpu.memory_space<vmem>>) target(%dma_start3A_73 : memref<10240x8xf32, #tpu.memory_space<vmem_shared>>) offsets(%dma_start3A_70 : memref<128xi32, #tpu.memory_space<vmem>>) semaphore(%arg9 : memref<!tpu.dma_semaphore, #tpu.memory_space<semaphore_mem>>) {add = true}
      %dma_wait3A = arith.constant 0 : i32
      %dma_wait3A_74 = arith.constant 0 : i32
      %dma_wait3A_75 = tpu.memref_slice %arg7[%dma_wait3A, %dma_wait3A_74] : memref<8x128xi32, #tpu.memory_space<vmem>> -> memref<1x128xi32, #tpu.memory_space<vmem>>
      %dma_wait3A_76 = tpu.memref_squeeze %dma_wait3A_75 : memref<1x128xi32, #tpu.memory_space<vmem>> -> memref<128xi32, #tpu.memory_space<vmem>>
      %dma_wait3A_77 = arith.constant 0 : i32
      %dma_wait3A_78 = arith.constant 0 : i32
      %dma_wait3A_79 = tpu.memref_slice %arg6[%dma_wait3A_77, %dma_wait3A_78] : memref<10240x8xf32, #tpu.memory_space<vmem_shared>> -> memref<10240x8xf32, #tpu.memory_space<vmem_shared>>
      tpu.wait_indirect_dma semaphore(%arg9 : memref<!tpu.dma_semaphore, #tpu.memory_space<semaphore_mem>>) src(%arg8 : memref<128x8xf32, #tpu.memory_space<vmem>>) dst(%dma_wait3A_79 : memref<10240x8xf32, #tpu.memory_space<vmem_shared>>)
      %dma_wait3A_80 = arith.constant 1 : i32
      %dma_wait3A_81 = arith.constant 0 : i32
      %dma_wait3A_82 = tpu.memref_slice %arg7[%dma_wait3A_80, %dma_wait3A_81] : memref<8x128xi32, #tpu.memory_space<vmem>> -> memref<1x128xi32, #tpu.memory_space<vmem>>
      %dma_wait3A_83 = tpu.memref_squeeze %dma_wait3A_82 : memref<1x128xi32, #tpu.memory_space<vmem>> -> memref<128xi32, #tpu.memory_space<vmem>>
      %dma_wait3A_84 = arith.constant 0 : i32
      %dma_wait3A_85 = arith.constant 0 : i32
      %dma_wait3A_86 = tpu.memref_slice %arg6[%dma_wait3A_84, %dma_wait3A_85] : memref<10240x8xf32, #tpu.memory_space<vmem_shared>> -> memref<10240x8xf32, #tpu.memory_space<vmem_shared>>
      tpu.wait_indirect_dma semaphore(%arg9 : memref<!tpu.dma_semaphore, #tpu.memory_space<semaphore_mem>>) src(%arg8 : memref<128x8xf32, #tpu.memory_space<vmem>>) dst(%dma_wait3A_86 : memref<10240x8xf32, #tpu.memory_space<vmem_shared>>)
      %dma_wait3A_87 = arith.constant 2 : i32
      %dma_wait3A_88 = arith.constant 0 : i32
      %dma_wait3A_89 = tpu.memref_slice %arg7[%dma_wait3A_87, %dma_wait3A_88] : memref<8x128xi32, #tpu.memory_space<vmem>> -> memref<1x128xi32, #tpu.memory_space<vmem>>
      %dma_wait3A_90 = tpu.memref_squeeze %dma_wait3A_89 : memref<1x128xi32, #tpu.memory_space<vmem>> -> memref<128xi32, #tpu.memory_space<vmem>>
      %dma_wait3A_91 = arith.constant 0 : i32
      %dma_wait3A_92 = arith.constant 0 : i32
      %dma_wait3A_93 = tpu.memref_slice %arg6[%dma_wait3A_91, %dma_wait3A_92] : memref<10240x8xf32, #tpu.memory_space<vmem_shared>> -> memref<10240x8xf32, #tpu.memory_space<vmem_shared>>
      tpu.wait_indirect_dma semaphore(%arg9 : memref<!tpu.dma_semaphore, #tpu.memory_space<semaphore_mem>>) src(%arg8 : memref<128x8xf32, #tpu.memory_space<vmem>>) dst(%dma_wait3A_93 : memref<10240x8xf32, #tpu.memory_space<vmem_shared>>)
      %dma_wait3A_94 = arith.constant 3 : i32
      %dma_wait3A_95 = arith.constant 0 : i32
      %dma_wait3A_96 = tpu.memref_slice %arg7[%dma_wait3A_94, %dma_wait3A_95] : memref<8x128xi32, #tpu.memory_space<vmem>> -> memref<1x128xi32, #tpu.memory_space<vmem>>
      %dma_wait3A_97 = tpu.memref_squeeze %dma_wait3A_96 : memref<1x128xi32, #tpu.memory_space<vmem>> -> memref<128xi32, #tpu.memory_space<vmem>>
      %dma_wait3A_98 = arith.constant 0 : i32
      %dma_wait3A_99 = arith.constant 0 : i32
      %dma_wait3A_100 = tpu.memref_slice %arg6[%dma_wait3A_98, %dma_wait3A_99] : memref<10240x8xf32, #tpu.memory_space<vmem_shared>> -> memref<10240x8xf32, #tpu.memory_space<vmem_shared>>
      tpu.wait_indirect_dma semaphore(%arg9 : memref<!tpu.dma_semaphore, #tpu.memory_space<semaphore_mem>>) src(%arg8 : memref<128x8xf32, #tpu.memory_space<vmem>>) dst(%dma_wait3A_100 : memref<10240x8xf32, #tpu.memory_space<vmem_shared>>)
      %dma_wait3A_101 = arith.constant 4 : i32
      %dma_wait3A_102 = arith.constant 0 : i32
      %dma_wait3A_103 = tpu.memref_slice %arg7[%dma_wait3A_101, %dma_wait3A_102] : memref<8x128xi32, #tpu.memory_space<vmem>> -> memref<1x128xi32, #tpu.memory_space<vmem>>
      %dma_wait3A_104 = tpu.memref_squeeze %dma_wait3A_103 : memref<1x128xi32, #tpu.memory_space<vmem>> -> memref<128xi32, #tpu.memory_space<vmem>>
      %dma_wait3A_105 = arith.constant 0 : i32
      %dma_wait3A_106 = arith.constant 0 : i32
      %dma_wait3A_107 = tpu.memref_slice %arg6[%dma_wait3A_105, %dma_wait3A_106] : memref<10240x8xf32, #tpu.memory_space<vmem_shared>> -> memref<10240x8xf32, #tpu.memory_space<vmem_shared>>
      tpu.wait_indirect_dma semaphore(%arg9 : memref<!tpu.dma_semaphore, #tpu.memory_space<semaphore_mem>>) src(%arg8 : memref<128x8xf32, #tpu.memory_space<vmem>>) dst(%dma_wait3A_107 : memref<10240x8xf32, #tpu.memory_space<vmem_shared>>)
      %dma_wait3A_108 = arith.constant 5 : i32
      %dma_wait3A_109 = arith.constant 0 : i32
      %dma_wait3A_110 = tpu.memref_slice %arg7[%dma_wait3A_108, %dma_wait3A_109] : memref<8x128xi32, #tpu.memory_space<vmem>> -> memref<1x128xi32, #tpu.memory_space<vmem>>
      %dma_wait3A_111 = tpu.memref_squeeze %dma_wait3A_110 : memref<1x128xi32, #tpu.memory_space<vmem>> -> memref<128xi32, #tpu.memory_space<vmem>>
      %dma_wait3A_112 = arith.constant 0 : i32
      %dma_wait3A_113 = arith.constant 0 : i32
      %dma_wait3A_114 = tpu.memref_slice %arg6[%dma_wait3A_112, %dma_wait3A_113] : memref<10240x8xf32, #tpu.memory_space<vmem_shared>> -> memref<10240x8xf32, #tpu.memory_space<vmem_shared>>
      tpu.wait_indirect_dma semaphore(%arg9 : memref<!tpu.dma_semaphore, #tpu.memory_space<semaphore_mem>>) src(%arg8 : memref<128x8xf32, #tpu.memory_space<vmem>>) dst(%dma_wait3A_114 : memref<10240x8xf32, #tpu.memory_space<vmem_shared>>)
      %dma_wait3A_115 = arith.constant 6 : i32
      %dma_wait3A_116 = arith.constant 0 : i32
      %dma_wait3A_117 = tpu.memref_slice %arg7[%dma_wait3A_115, %dma_wait3A_116] : memref<8x128xi32, #tpu.memory_space<vmem>> -> memref<1x128xi32, #tpu.memory_space<vmem>>
      %dma_wait3A_118 = tpu.memref_squeeze %dma_wait3A_117 : memref<1x128xi32, #tpu.memory_space<vmem>> -> memref<128xi32, #tpu.memory_space<vmem>>
      %dma_wait3A_119 = arith.constant 0 : i32
      %dma_wait3A_120 = arith.constant 0 : i32
      %dma_wait3A_121 = tpu.memref_slice %arg6[%dma_wait3A_119, %dma_wait3A_120] : memref<10240x8xf32, #tpu.memory_space<vmem_shared>> -> memref<10240x8xf32, #tpu.memory_space<vmem_shared>>
      tpu.wait_indirect_dma semaphore(%arg9 : memref<!tpu.dma_semaphore, #tpu.memory_space<semaphore_mem>>) src(%arg8 : memref<128x8xf32, #tpu.memory_space<vmem>>) dst(%dma_wait3A_121 : memref<10240x8xf32, #tpu.memory_space<vmem_shared>>)
      %dma_wait3A_122 = arith.constant 7 : i32
      %dma_wait3A_123 = arith.constant 0 : i32
      %dma_wait3A_124 = tpu.memref_slice %arg7[%dma_wait3A_122, %dma_wait3A_123] : memref<8x128xi32, #tpu.memory_space<vmem>> -> memref<1x128xi32, #tpu.memory_space<vmem>>
      %dma_wait3A_125 = tpu.memref_squeeze %dma_wait3A_124 : memref<1x128xi32, #tpu.memory_space<vmem>> -> memref<128xi32, #tpu.memory_space<vmem>>
      %dma_wait3A_126 = arith.constant 0 : i32
      %dma_wait3A_127 = arith.constant 0 : i32
      %dma_wait3A_128 = tpu.memref_slice %arg6[%dma_wait3A_126, %dma_wait3A_127] : memref<10240x8xf32, #tpu.memory_space<vmem_shared>> -> memref<10240x8xf32, #tpu.memory_space<vmem_shared>>
      tpu.wait_indirect_dma semaphore(%arg9 : memref<!tpu.dma_semaphore, #tpu.memory_space<semaphore_mem>>) src(%arg8 : memref<128x8xf32, #tpu.memory_space<vmem>>) dst(%dma_wait3A_128 : memref<10240x8xf32, #tpu.memory_space<vmem_shared>>)
    }
    %scan3A_9 = arith.constant 10 : i32
    %barrier3A_10 = arith.constant 0 : index
    tpu.barrier barrier_id(%barrier3A_10)
    %mul3A_11 = arith.constant 640 : i32
    %mul3A_12 = arith.muli %arg1, %mul3A_11 : i32
    %mul3A_13 = arith.constant 640 : i32
    %mul3A_14 = arith.muli %arg1, %mul3A_13 : i32
    "tpu.region"() ({
      %run_scoped3A = tpu.sem_alloc : memref<!tpu.dma_semaphore, #tpu.memory_space<semaphore_mem>>
      %dma_start3A = arith.constant 0 : i32
      %dma_start3A_15 = tpu.memref_slice %arg5[%arg0, %mul3A_14, %dma_start3A] : memref<2x10240x8xf32, #tpu.memory_space<hbm>> -> memref<1x640x8xf32, #tpu.memory_space<hbm>>
      %dma_start3A_16 = tpu.memref_squeeze %dma_start3A_15 : memref<1x640x8xf32, #tpu.memory_space<hbm>> -> memref<640x8xf32, #tpu.memory_space<hbm>>
      %dma_start3A_17 = arith.constant 0 : i32
      %dma_start3A_18 = tpu.memref_slice %arg6[%mul3A_12, %dma_start3A_17] : memref<10240x8xf32, #tpu.memory_space<vmem_shared>> -> memref<640x8xf32, #tpu.memory_space<vmem_shared>>
      tpu.enqueue_dma source(%dma_start3A_18 : memref<640x8xf32, #tpu.memory_space<vmem_shared>>) target(%dma_start3A_16 : memref<640x8xf32, #tpu.memory_space<hbm>>) target_semaphore(%run_scoped3A : memref<!tpu.dma_semaphore, #tpu.memory_space<semaphore_mem>>)
      %dma_wait3A = arith.constant 0 : i32
      %dma_wait3A_19 = tpu.memref_slice %arg5[%arg0, %mul3A_14, %dma_wait3A] : memref<2x10240x8xf32, #tpu.memory_space<hbm>> -> memref<1x640x8xf32, #tpu.memory_space<hbm>>
      %dma_wait3A_20 = tpu.memref_squeeze %dma_wait3A_19 : memref<1x640x8xf32, #tpu.memory_space<hbm>> -> memref<640x8xf32, #tpu.memory_space<hbm>>
      %dma_wait3A_21 = arith.constant 0 : i32
      %dma_wait3A_22 = tpu.memref_slice %arg6[%mul3A_12, %dma_wait3A_21] : memref<10240x8xf32, #tpu.memory_space<vmem_shared>> -> memref<640x8xf32, #tpu.memory_space<vmem_shared>>
      tpu.wait_dma2 semaphore(%run_scoped3A : memref<!tpu.dma_semaphore, #tpu.memory_space<semaphore_mem>>) src(%dma_wait3A_22 : memref<640x8xf32, #tpu.memory_space<vmem_shared>>) dst(%dma_wait3A_20 : memref<640x8xf32, #tpu.memory_space<hbm>>)
      tpu.yield
    }) : () -> ()
    return
  }
}

module attributes {stable_mosaic.version = 14 : i64} {
  func.func @_enc_body(%arg0: i32, %arg1: memref<2000x128xf32, #tpu.memory_space<vmem>>, %arg2: memref<128x128xf32, #tpu.memory_space<vmem>>, %arg3: memref<128x1xf32, #tpu.memory_space<vmem>>, %arg4: memref<2000x1xf32, #tpu.memory_space<vmem>>, %arg5: memref<2000x1xf32, #tpu.memory_space<vmem>>, %arg6: memref<2000x128xf32, #tpu.memory_space<vmem>>, %arg7: memref<2000x1xf32, #tpu.memory_space<vmem>>, %arg8: memref<128x128xf32, #tpu.memory_space<vmem>>) attributes {dimension_semantics = [#tpu.dimension_semantics<arbitrary>], iteration_bounds = array<i64: 5>, scalar_prefetch = 0 : i64, scratch_operands = 1 : i64, tpu.core_type = #tpu.core_type<tc>, window_params = [{transform_indices = @transform_0, window_bounds = array<i64: 2000, 128>}, {pipeline_mode = #tpu.pipeline_mode<synchronous>, transform_indices = @transform_1, window_bounds = array<i64: 128, 128>}, {pipeline_mode = #tpu.pipeline_mode<synchronous>, transform_indices = @transform_2, window_bounds = array<i64: 128, 1>}, {transform_indices = @transform_3, window_bounds = array<i64: 2000, 1>}, {transform_indices = @transform_4, window_bounds = array<i64: 2000, 1>}, {transform_indices = @transform_5, window_bounds = array<i64: 2000, 128>}, {transform_indices = @transform_6, window_bounds = array<i64: 2000, 1>}]} {
    %eq3A = arith.constant 0 : i32
    %eq3A_0 = arith.cmpi eq, %arg0, %eq3A : i32
    %convert_element_type3A = arith.extui %eq3A_0 : i1 to i32
    %cond3A = arith.constant 0 : i32
    %cond3A_1 = arith.cmpi ne, %convert_element_type3A, %cond3A : i32
    scf.if %cond3A_1 {
      %get3A_23 = arith.constant 0 : index
      %get3A_24 = arith.constant 0 : index
      %get3A_25 = vector.load %arg2[%get3A_23, %get3A_24] : memref<128x128xf32, #tpu.memory_space<vmem>>, vector<128x128xf32>
      %get3A_26 = arith.constant 0 : index
      %get3A_27 = arith.constant 0 : index
      %get3A_28 = vector.load %arg3[%get3A_26, %get3A_27] : memref<128x1xf32, #tpu.memory_space<vmem>>, vector<128x1xf32>
      %dot_general3A_29 = arith.constant dense<0.000000e+00> : vector<128x1xf32>
      %dot_general3A_30 = tpu.matmul %get3A_25, %get3A_28, %dot_general3A_29 {dimension_numbers = #tpu.dot_dimension_numbers<[0], [0], [1], [1], [0, 1, 1, 1], [], []>, transpose_lhs_hint = false} : vector<128x128xf32>, vector<128x1xf32>, vector<128x1xf32> -> vector<128x1xf32>
      %mul3A_31 = arith.mulf %dot_general3A_30, %dot_general3A_30 : vector<128x1xf32>
      %reduce_sum3A = vector.shape_cast %mul3A_31 : vector<128x1xf32> to vector<1x128x1xf32>
      %reduce_sum3A_32 = arith.constant dense<0.000000e+00> : vector<1xf32>
      %reduce_sum3A_33 = vector.multi_reduction <add>, %reduce_sum3A, %reduce_sum3A_32 [1, 2] : vector<1x128x1xf32> to vector<1xf32>
      %reduce_sum3A_34 = vector.shape_cast %reduce_sum3A_33 : vector<1xf32> to vector<1x1x1xf32>
      %reduce_sum3A_35 = vector.extract %reduce_sum3A_34[0, 0, 0] : f32 from vector<1x1x1xf32>
      %sqrt3A = math.sqrt %reduce_sum3A_35 : f32
      %add3A_36 = arith.constant 9.99999996E-13 : f32
      %add3A_37 = arith.addf %sqrt3A, %add3A_36 : f32
      %div3A = vector.broadcast %add3A_37 : f32 to vector<128x1xf32>
      %div3A_38 = arith.divf %dot_general3A_30, %div3A : vector<128x1xf32>
      %dot_general3A_39 = arith.constant dense<0.000000e+00> : vector<128x1xf32>
      %dot_general3A_40 = tpu.matmul %get3A_25, %div3A_38, %dot_general3A_39 {dimension_numbers = #tpu.dot_dimension_numbers<[1], [0], [0], [1], [0, 0, 1, 1], [], []>, transpose_lhs_hint = false} : vector<128x128xf32>, vector<128x1xf32>, vector<128x1xf32> -> vector<128x1xf32>
      %mul3A_41 = arith.mulf %dot_general3A_40, %dot_general3A_40 : vector<128x1xf32>
      %reduce_sum3A_42 = vector.shape_cast %mul3A_41 : vector<128x1xf32> to vector<1x128x1xf32>
      %reduce_sum3A_43 = arith.constant dense<0.000000e+00> : vector<1xf32>
      %reduce_sum3A_44 = vector.multi_reduction <add>, %reduce_sum3A_42, %reduce_sum3A_43 [1, 2] : vector<1x128x1xf32> to vector<1xf32>
      %reduce_sum3A_45 = vector.shape_cast %reduce_sum3A_44 : vector<1xf32> to vector<1x1x1xf32>
      %reduce_sum3A_46 = vector.extract %reduce_sum3A_45[0, 0, 0] : f32 from vector<1x1x1xf32>
      %sqrt3A_47 = math.sqrt %reduce_sum3A_46 : f32
      %add3A_48 = arith.constant 9.99999996E-13 : f32
      %add3A_49 = arith.addf %sqrt3A_47, %add3A_48 : f32
      %div3A_50 = vector.broadcast %add3A_49 : f32 to vector<128x1xf32>
      %div3A_51 = arith.divf %dot_general3A_40, %div3A_50 : vector<128x1xf32>
      %mul3A_52 = arith.mulf %div3A_51, %dot_general3A_40 : vector<128x1xf32>
      %reduce_sum3A_53 = vector.shape_cast %mul3A_52 : vector<128x1xf32> to vector<1x128x1xf32>
      %reduce_sum3A_54 = arith.constant dense<0.000000e+00> : vector<1xf32>
      %reduce_sum3A_55 = vector.multi_reduction <add>, %reduce_sum3A_53, %reduce_sum3A_54 [1, 2] : vector<1x128x1xf32> to vector<1xf32>
      %reduce_sum3A_56 = vector.shape_cast %reduce_sum3A_55 : vector<1xf32> to vector<1x1x1xf32>
      %reduce_sum3A_57 = vector.extract %reduce_sum3A_56[0, 0, 0] : f32 from vector<1x1x1xf32>
      %div3A_58 = vector.broadcast %reduce_sum3A_57 : f32 to vector<128x128xf32>
      %div3A_59 = arith.divf %get3A_25, %div3A_58 : vector<128x128xf32>
      %swap3A_60 = arith.constant 0 : index
      %swap3A_61 = arith.constant 0 : index
      %swap3A_62 = vector.load %arg8[%swap3A_60, %swap3A_61] : memref<128x128xf32, #tpu.memory_space<vmem>>, vector<128x128xf32>
      tpu.vector_store %arg8[%swap3A_60, %swap3A_61], %div3A_59 {strides = array<i32>} : memref<128x128xf32, #tpu.memory_space<vmem>>, vector<128x128xf32>,
    } else {
    }
    %get3A = arith.constant 0 : index
    %get3A_2 = arith.constant 0 : index
    %get3A_3 = vector.load %arg1[%get3A, %get3A_2] : memref<2000x128xf32, #tpu.memory_space<vmem>>, vector<2000x128xf32>
    %get3A_4 = arith.constant 0 : index
    %get3A_5 = arith.constant 0 : index
    %get3A_6 = vector.load %arg8[%get3A_4, %get3A_5] : memref<128x128xf32, #tpu.memory_space<vmem>>, vector<128x128xf32>
    %dot_general3A = arith.constant dense<0.000000e+00> : vector<2000x128xf32>
    %dot_general3A_7 = tpu.matmul %get3A_3, %get3A_6, %dot_general3A {dimension_numbers = #tpu.dot_dimension_numbers<[1], [0], [0], [1], [0, 0, 1, 1], [], []>, transpose_lhs_hint = false} : vector<2000x128xf32>, vector<128x128xf32>, vector<2000x128xf32> -> vector<2000x128xf32>
    %get3A_8 = arith.constant 0 : index
    %get3A_9 = arith.constant 0 : index
    %get3A_10 = vector.load %arg4[%get3A_8, %get3A_9] : memref<2000x1xf32, #tpu.memory_space<vmem>>, vector<2000x1xf32>
    %get3A_11 = arith.constant 0 : index
    %get3A_12 = arith.constant 0 : index
    %get3A_13 = vector.load %arg5[%get3A_11, %get3A_12] : memref<2000x1xf32, #tpu.memory_space<vmem>>, vector<2000x1xf32>
    %add3A = arith.addf %get3A_10, %get3A_13 : vector<2000x1xf32>
    %add3A_14 = arith.constant 1.000000e+00 : f32
    %add3A_15 = vector.broadcast %add3A_14 : f32 to vector<2000x1xf32>
    %add3A_16 = arith.addf %add3A, %add3A_15 : vector<2000x1xf32>
    %rsqrt3A = math.rsqrt %add3A_16 : vector<2000x1xf32>
    %swap3A = arith.constant 0 : index
    %swap3A_17 = arith.constant 0 : index
    %swap3A_18 = vector.load %arg7[%swap3A, %swap3A_17] : memref<2000x1xf32, #tpu.memory_space<vmem>>, vector<2000x1xf32>
    tpu.vector_store %arg7[%swap3A, %swap3A_17], %rsqrt3A {strides = array<i32>} : memref<2000x1xf32, #tpu.memory_space<vmem>>, vector<2000x1xf32>,
    %mul3A = vector.broadcast %rsqrt3A : vector<2000x1xf32> to vector<2000x128xf32>
    %mul3A_19 = arith.mulf %dot_general3A_7, %mul3A : vector<2000x128xf32>
    %swap3A_20 = arith.constant 0 : index
    %swap3A_21 = arith.constant 0 : index
    %swap3A_22 = vector.load %arg6[%swap3A_20, %swap3A_21] : memref<2000x128xf32, #tpu.memory_space<vmem>>, vector<2000x128xf32>
    tpu.vector_store %arg6[%swap3A_20, %swap3A_21], %mul3A_19 {strides = array<i32>} : memref<2000x128xf32, #tpu.memory_space<vmem>>, vector<2000x128xf32>,
    return
  }
  func.func @transform_0(%arg0: i32) -> (i32, i32) {
    %c0_i32 = arith.constant 0 : i32
    %c0_i32_0 = arith.constant 0 : i32
    return %arg0, %c0_i32 : i32, i32
  }
  func.func @transform_1(%arg0: i32) -> (i32, i32) {
    %c0_i32 = arith.constant 0 : i32
    %c0_i32_0 = arith.constant 0 : i32
    %c0_i32_1 = arith.constant 0 : i32
    return %c0_i32, %c0_i32_0 : i32, i32
  }
  func.func @transform_2(%arg0: i32) -> (i32, i32) {
    %c0_i32 = arith.constant 0 : i32
    %c0_i32_0 = arith.constant 0 : i32
    %c0_i32_1 = arith.constant 0 : i32
    return %c0_i32, %c0_i32_0 : i32, i32
  }
  func.func @transform_3(%arg0: i32) -> (i32, i32) {
    %c0_i32 = arith.constant 0 : i32
    %c0_i32_0 = arith.constant 0 : i32
    return %arg0, %c0_i32 : i32, i32
  }
  func.func @transform_4(%arg0: i32) -> (i32, i32) {
    %c0_i32 = arith.constant 0 : i32
    %c0_i32_0 = arith.constant 0 : i32
    return %arg0, %c0_i32 : i32, i32
  }
  func.func @transform_5(%arg0: i32) -> (i32, i32) {
    %c0_i32 = arith.constant 0 : i32
    %c0_i32_0 = arith.constant 0 : i32
    return %arg0, %c0_i32 : i32, i32
  }
  func.func @transform_6(%arg0: i32) -> (i32, i32) {
    %c0_i32 = arith.constant 0 : i32
    %c0_i32_0 = arith.constant 0 : i32
    return %arg0, %c0_i32 : i32, i32
  }
}

module attributes {stable_mosaic.version = 14 : i64} {
  func.func @_out_body(%arg0: i32, %arg1: memref<2000x128xf32, #tpu.memory_space<vmem>>, %arg2: memref<1x2000x128xf32, #tpu.memory_space<vmem>>, %arg3: memref<1x2000x128xf32, #tpu.memory_space<vmem>>, %arg4: memref<2000x1xf32, #tpu.memory_space<vmem>>, %arg5: memref<1x128xf32, #tpu.memory_space<vmem>>, %arg6: memref<2000x128xf32, #tpu.memory_space<vmem>>) attributes {dimension_semantics = [#tpu.dimension_semantics<arbitrary>], iteration_bounds = array<i64: 5>, scalar_prefetch = 0 : i64, scratch_operands = 0 : i64, tpu.core_type = #tpu.core_type<tc>, window_params = [{transform_indices = @transform_0, window_bounds = array<i64: 2000, 128>}, {transform_indices = @transform_1, window_bounds = array<i64: 1, 2000, 128>}, {transform_indices = @transform_2, window_bounds = array<i64: 1, 2000, 128>}, {transform_indices = @transform_3, window_bounds = array<i64: 2000, 1>}, {pipeline_mode = #tpu.pipeline_mode<synchronous>, transform_indices = @transform_4, window_bounds = array<i64: 1, 128>}, {transform_indices = @transform_5, window_bounds = array<i64: 2000, 128>}]} {
    %get3A = arith.constant 0 : index
    %get3A_0 = arith.constant 0 : index
    %get3A_1 = vector.load %arg1[%get3A, %get3A_0] : memref<2000x128xf32, #tpu.memory_space<vmem>>, vector<2000x128xf32>
    %get3A_2 = arith.constant 0 : index
    %get3A_3 = arith.constant 0 : index
    %get3A_4 = arith.constant 0 : index
    %get3A_5 = vector.load %arg2[%get3A_2, %get3A_3, %get3A_4] : memref<1x2000x128xf32, #tpu.memory_space<vmem>>, vector<1x2000x128xf32>
    %get3A_6 = vector.shape_cast %get3A_5 : vector<1x2000x128xf32> to vector<2000x128xf32>
    %add3A = arith.addf %get3A_1, %get3A_6 : vector<2000x128xf32>
    %get3A_7 = arith.constant 0 : index
    %get3A_8 = arith.constant 0 : index
    %get3A_9 = arith.constant 0 : index
    %get3A_10 = vector.load %arg3[%get3A_7, %get3A_8, %get3A_9] : memref<1x2000x128xf32, #tpu.memory_space<vmem>>, vector<1x2000x128xf32>
    %get3A_11 = vector.shape_cast %get3A_10 : vector<1x2000x128xf32> to vector<2000x128xf32>
    %add3A_12 = arith.addf %add3A, %get3A_11 : vector<2000x128xf32>
    %get3A_13 = arith.constant 0 : index
    %get3A_14 = arith.constant 0 : index
    %get3A_15 = vector.load %arg4[%get3A_13, %get3A_14] : memref<2000x1xf32, #tpu.memory_space<vmem>>, vector<2000x1xf32>
    %mul3A = vector.broadcast %get3A_15 : vector<2000x1xf32> to vector<2000x128xf32>
    %mul3A_16 = arith.mulf %add3A_12, %mul3A : vector<2000x128xf32>
    %get3A_17 = arith.constant 0 : index
    %get3A_18 = arith.constant 0 : index
    %get3A_19 = vector.load %arg5[%get3A_17, %get3A_18] : memref<1x128xf32, #tpu.memory_space<vmem>>, vector<1x128xf32>
    %add3A_20 = vector.broadcast %get3A_19 : vector<1x128xf32> to vector<2000x128xf32>
    %add3A_21 = arith.addf %mul3A_16, %add3A_20 : vector<2000x128xf32>
    %swap3A = arith.constant 0 : index
    %swap3A_22 = arith.constant 0 : index
    %swap3A_23 = vector.load %arg6[%swap3A, %swap3A_22] : memref<2000x128xf32, #tpu.memory_space<vmem>>, vector<2000x128xf32>
    tpu.vector_store %arg6[%swap3A, %swap3A_22], %add3A_21 {strides = array<i32>} : memref<2000x128xf32, #tpu.memory_space<vmem>>, vector<2000x128xf32>,
    return
  }
  func.func @transform_0(%arg0: i32) -> (i32, i32) {
    %c0_i32 = arith.constant 0 : i32
    %c0_i32_0 = arith.constant 0 : i32
    return %arg0, %c0_i32 : i32, i32
  }
  func.func @transform_1(%arg0: i32) -> (i32, i32, i32) {
    %c0_i32 = arith.constant 0 : i32
    %c0_i32_0 = arith.constant 0 : i32
    %c0_i32_1 = arith.constant 0 : i32
    return %c0_i32, %arg0, %c0_i32_0 : i32, i32, i32
  }
  func.func @transform_2(%arg0: i32) -> (i32, i32, i32) {
    %c1_i32 = arith.constant 1 : i32
    %c0_i32 = arith.constant 0 : i32
    %c0_i32_0 = arith.constant 0 : i32
    return %c1_i32, %arg0, %c0_i32 : i32, i32, i32
  }
  func.func @transform_3(%arg0: i32) -> (i32, i32) {
    %c0_i32 = arith.constant 0 : i32
    %c0_i32_0 = arith.constant 0 : i32
    return %arg0, %c0_i32 : i32, i32
  }
  func.func @transform_4(%arg0: i32) -> (i32, i32) {
    %c0_i32 = arith.constant 0 : i32
    %c0_i32_0 = arith.constant 0 : i32
    %c0_i32_1 = arith.constant 0 : i32
    return %c0_i32, %c0_i32_0 : i32, i32
  }
  func.func @transform_5(%arg0: i32) -> (i32, i32) {
    %c0_i32 = arith.constant 0 : i32
    %c0_i32_0 = arith.constant 0 : i32
    return %arg0, %c0_i32 : i32, i32
  }
}

</mosaic_0001>

<sc_bundles>
// kernel: kernel.6.cloned.1.call-start
scs
__scs_entry_jumppad:
0x0: {  	(pc) =	sbr.rel $0x88, $3  }
0x1: {  	(tag) =	ssettag $0x0;
	lr =	simm.s32 $0x1  }
0x2: {  	[smem:$0x3F9C] =	sst lr;
	_ =	strace $0xD0000000  }
0x3: {  	_ = 	snop  }
0x4: {  	_ = 	snop  }
0x5: {  	_ = 	snop  }
0x6: {  	_ = 	snop  }
0x7: {  	_ = 	snop  }
__scs_overlays_trampoline_lowered:
0x8: {  	[smem:$0x3FAB] =	sst s0  }
0x9: {  	[smem:$0x3FAC] =	sst s1  }
0xa: {  	[smem:$0x3FAD] =	sst s2  }
0xb: {  	[smem:$0x3FAE] =	sst s3  }
0xc: {  	[smem:$0x3FAF] =	sst s4  }
0xd: {  	[smem:$0x3FB0] =	sst s5  }
0xe: {  	[smem:$0x3FB1] =	sst s6  }
0xf: {  	[smem:$0x3FB2] =	sst s7  }
0x10: {  	[smem:$0x3FB3] =	sst s8  }
0x11: {  	[smem:$0x3FB4] =	sst s9;
	s0 =	simm.s32 @!p0 $0x0  }
0x12: {  	s1 =	sld [smem:$0x3F9A];
	s0 =	simm.s32 @p0 $0x1  }
0x13: {  	[smem:$0x3FB5] =	sst s0;
	s0 =	simm.s32 @!p1 $0x0  }
0x14: {  	s2 =	sld [smem:$0x3F99];
	s0 =	simm.s32 @p1 $0x1  }
0x15: {  	[smem:$0x3FB6] =	sst s0;
	s0 =	simm.s32 @!p2 $0x0  }
0x16: {  	s3 =	sld [smem:$0x3FDB];
	s0 =	simm.s32 @p2 $0x1  }
0x17: {  	s4 =	simm.s32 $0x1BF5;
	[smem:$0x3FB8] =	sst s0  }
0x18: {  	s0 =	sld [smem:$0x3F9B];
	_ =	swait.ge [sflag:s4], $0x0  }
0x19: {  	s7 =	sld [smem:$0x3F9C]  }
0x1a: {  	s8 =	sadd.s32 $0xFFFFE003, lr  }
0x1b: {  	s9 =	sadd.s32 $0xFFFFFEF7, lr;
	s5 =	simm.s32 $0xFFFFFFFF;
	p2 =	slt.u32 s8, $0xFFFFF086  }
0x1c: {  	p1 =	slt.u32 s9, $0xF7A;
	s5 =	simm.s32 @!p2 $0x0  }
0x1d: {  	s5 =	simm.s32 @p1 $0x1;
	p0 =	seq.s32 s7, s2  }
0x1e: {  	s7 =	smul.u32 @!p0 $0xF7A, s2;
	p2 =	seq.s32 @!p0 s5, $0x0  }
0x1f: {  	s9 =	smul.u32 $0xF7A, s1;
	s8 =	simm.s32 @!p0 $0x1BF5;
	p2 =	por !p2, p0  }
0x20: {  	[sflag:s8] =	ssyncset.s32 @!p0 $0xFFFFF086;
	s6 =	sadd.s32 @!p0 s3, s7;
	s7 =	simm.s32 @!p0 $0x108  }
0x21: {  	s3 =	sadd.s32 s3, s9;
	s6 =	sadd.s32 @!p0 $0x88, s6;
	s7 =	simm.s32 @p2 $0x1082  }
0x22: {  	[simem:s7], [sflag:s8] =	dma.local @!p0 [hbm:s6], $0xF7A  }
0x23: {  	s9 =	sor.u32 $0xD0000000, s2;
	s6 =	simm.s32 $0x108;
	_ =	swait.ge @!p0 [sflag:s8], $0x0  }
0x24: {  	s3 =	sadd.s32 $0x88, s3;
	s6 =	simm.s32 @!p1 $0x1082;
	[sflag:s4] =	ssyncset.s32 $0xFFFFF086  }
0x25: {  	[simem:s6], [sflag:s4] =	dma.local [hbm:s3], $0xF7A  }
0x26: {  	[smem:$0x3F9C] =	sst s1;
	(tag) =	ssettag s2;
	_ =	strace s9  }
0x27: {  	s1 =	sld [smem:$0x3FAC]  }
0x28: {  	s2 =	sld [smem:$0x3FAD]  }
0x29: {  	s4 =	sld [smem:$0x3FAF]  }
0x2a: {  	p0 =	seq.s32 s5, $0x0;
	s5 =	sld [smem:$0x3FB0]  }
0x2b: {  	s6 =	sld [smem:$0x3FB1]  }
0x2c: {  	s7 =	sld [smem:$0x3FB2]  }
0x2d: {  	s3 =	simm.s32 $0x108;
	s8 =	sld [smem:$0x3FB3]  }
0x2e: {  	s3 =	simm.s32 @!p0 $0x1082;
	s9 =	sld [smem:$0x3FB4]  }
0x2f: {  	lr =	sadd.s32 s0, s3;
	s0 =	sld [smem:$0x3FAB]  }
0x30: {  	s3 =	sld [smem:$0x3FAE]  }
0x31: {  	[smem:$0x3FB7] =	sst s10  }
0x32: {  	s10 =	sld [smem:$0x3FB5];
	_ =	sdelay $0x3  }
0x33: {  	p0 =	seq.s32 s10, $0x1;
	s10 =	sld [smem:$0x3FB7];
	_ =	sdelay $0x3  }
0x34: {  	[smem:$0x3FB7] =	sst s10  }
0x35: {  	s10 =	sld [smem:$0x3FB6];
	_ =	sdelay $0x3  }
0x36: {  	p1 =	seq.s32 s10, $0x1;
	s10 =	sld [smem:$0x3FB7];
	_ =	sdelay $0x3  }
0x37: {  	[smem:$0x3FB7] =	sst s10  }
0x38: {  	s10 =	sld [smem:$0x3FB8]  }
0x39: {  	_ = 	snop;
	(pc) =	sbr.ind lr, $3  }
0x3a: {  	_ = 	snop  }
0x3b: {  	_ = 	snop  }
0x3c: {  	p2 =	seq.s32 s10, $0x1;
	s10 =	sld [smem:$0x3FB7]  }
0x3d: {  	_ =	shalt  }
0x3e: {  	_ =	shalt  }
0x3f: {  	_ =	shalt  }
0x40: {  	_ =	shalt  }
0x41: {  	_ =	shalt  }
0x42: {  	_ =	shalt  }
0x43: {  	_ =	shalt  }
0x44: {  	_ =	shalt  }
0x45: {  	_ =	shalt  }
0x46: {  	_ =	shalt  }
0x47: {  	_ =	shalt  }
0x48: {  	_ =	shalt  }
0x49: {  	_ =	shalt  }
0x4a: {  	_ =	shalt  }
0x4b: {  	_ =	shalt  }
0x4c: {  	_ =	shalt  }
0x4d: {  	_ =	shalt  }
0x4e: {  	_ =	shalt  }
0x4f: {  	_ =	shalt  }
0x50: {  	_ =	shalt  }
0x51: {  	_ =	shalt  }
0x52: {  	_ =	shalt  }
0x53: {  	_ =	shalt  }
0x54: {  	_ =	shalt  }
0x55: {  	_ =	shalt  }
0x56: {  	_ =	shalt  }
0x57: {  	_ =	shalt  }
0x58: {  	_ =	shalt  }
0x59: {  	_ =	shalt  }
0x5a: {  	_ =	shalt  }
0x5b: {  	_ =	shalt  }
0x5c: {  	_ =	shalt  }
0x5d: {  	_ =	shalt  }
0x5e: {  	_ =	shalt  }
0x5f: {  	_ =	shalt  }
0x60: {  	_ =	shalt  }
0x61: {  	_ =	shalt  }
0x62: {  	_ =	shalt  }
0x63: {  	_ =	shalt  }
0x64: {  	_ =	shalt  }
0x65: {  	_ =	shalt  }
0x66: {  	_ =	shalt  }
0x67: {  	_ =	shalt  }
0x68: {  	_ =	shalt  }
0x69: {  	_ =	shalt  }
0x6a: {  	_ =	shalt  }
0x6b: {  	_ =	shalt  }
0x6c: {  	_ =	shalt  }
0x6d: {  	_ =	shalt  }
0x6e: {  	_ =	shalt  }
0x6f: {  	_ =	shalt  }
0x70: {  	_ =	shalt  }
0x71: {  	_ =	shalt  }
0x72: {  	_ =	shalt  }
0x73: {  	_ =	shalt  }
0x74: {  	_ =	shalt  }
0x75: {  	_ =	shalt  }
0x76: {  	_ =	shalt  }
0x77: {  	_ =	shalt  }
0x78: {  	_ =	shalt  }
0x79: {  	_ =	shalt  }
0x7a: {  	_ =	shalt  }
0x7b: {  	_ =	shalt  }
0x7c: {  	_ =	shalt  }
0x7d: {  	_ =	shalt  }
0x7e: {  	_ =	shalt  }
0x7f: {  	_ =	shalt  }
0x80: {  	_ =	shalt  }
0x81: {  	_ =	shalt  }
0x82: {  	_ =	shalt  }
0x83: {  	_ =	shalt  }
0x84: {  	_ =	shalt  }
0x85: {  	_ =	shalt  }
0x86: {  	_ =	shalt  }
0x87: {  	_ =	shalt  }
.Lfunc_end0:
.L_simem_size_0:
called_computation_lowered:
.L_overlay_start_0:
0x88: {  	s2 =	sld [smem:$0x3FD9]  }
0x89: {  	s3 =	sld [smem:$0x3FFE];
	_ =	sdelay $0x1  }
0x8a: {  	s1 =	srdreg.scid  }
0x8b: {  	s0 =	sand.u32 $0x1, s1  }
0x8c: {  	s17 =	sshll.u32 s0, $0xA;
	s2 =	sadd.s32 s3, s2  }
0x8d: {  	s2 =	sadd.s32 s2, s17  }
0x8e: {  	[smem:$0x3FC3] =	sst s2  }
0x8f: {  	_ = 	snop  }
0x90: {  	s2 =	sld [smem:$0x3FD0];
	(tm) =	ssettm $0x1  }
0x91: {  	s18 =	sld [smem:$0x3FFB];
	_ =	sdelay $0x3  }
0x92: {  	_ =	strace s18  }
0x93: {  	s3 =	sld [smem:$0x3FFC];
	_ =	sdelay $0x3  }
0x94: {  	_ =	strace s3  }
0x95: {  	s3 =	sld [smem:$0x3FFD];
	_ =	sdelay $0x3  }
0x96: {  	_ =	strace s3  }
0x97: {  	_ =	strace $0x8FFFFFFF  }
0x98: {  	s19 =	sld [smem:$0x3FDB];
	_ =	sdelay $0x1  }
0x99: {  	s4 =	simm.s32 $_scs_section_size  }
0x9a: {  	s5 =	simm.s32 $_size__tile_overlayer_lowered;
	s6 =	simm.s32 $_tile_overlayer_lowered  }
0x9b: {  	s22 =	simm.s32 $0x1BFF;
	s21 =	sshll.u32 s6, $0x1;
	s3 =	sadd.s32 s4, s19  }
0x9c: {  	s7 =	simm.s32 $0x0;
	s20 =	sshll.u32 s5, $0x1;
	s5 =	sadd.s32 s21, s3  }
0x9d: {  	[timem:s7], [sflag:s22] =	dma.local [hbm:s5], s20  }
0x9e: {  	_ =	swait.ge [sflag:s22], s20  }
0x9f: {  	s4 =	ssub.s32 $0x0, s20;
	[sflag:s22] =	ssyncset.done $0x0  }
0xa0: {  	[sflag:s22] =	ssyncadd.s32 s4;
	_ =	sdelay $0x1  }
0xa1: {  	s23 =	simm.s32 $0x1B8B  }
0xa2: {  	_ =	swait.ge [sflag:s23], $0x1  }
0xa3: {  	[sflag:s23] =	ssyncset.done $0x0  }
0xa4: {  	s25 =	simm.s32 $0x1B8E;
	s24 =	sld [smem:$0x3FFE];
	[sflag:s23] =	ssyncadd.s32 $0xFFFFFFFF  }
0xa5: {  	s26 =	simm.s32 $execute0_lowered;
	[smem:$0x3FD2] =	sst s25  }
0xa6: {  	s5 =	sshll.u32 s26, $0x1;
	_ =	strace $0x80000046;
	[dreg:$0x1] =	wrdreg $0xFFFFFFFF  }
0xa7: {  	s28 =	simm.s32 $_size_execute0_lowered;
	s3 =	sadd.s32 s3, s5;
	[dreg:$0x0] =	wrdreg $0x0  }
0xa8: {  	s5 =	sshll.u32 s28, $0x1;
	[dreg:$0x2] =	wrdreg s3  }
0xa9: {  	[dreg:$0x3] =	wrdreg s5  }
0xaa: {  	[dreg:$0x4] =	wrdreg $0xC0  }
0xab: {  	_ =	task [dreg:s7], $0x5FFFF  }
0xac: {  	[dreg:$0x1] =	wrdreg $0xFFFFFFFF  }
0xad: {  	[dreg:$0x0] =	wrdreg $0x60  }
0xae: {  	[dreg:$0x2] =	wrdreg s2  }
0xaf: {  	[dreg:$0x3] =	wrdreg s24  }
0xb0: {  	[dreg:$0x4] =	wrdreg $0x0  }
0xb1: {  	[dreg:$0x5] =	wrdreg $0x9  }
0xb2: {  	_ =	task.clear_ibuf [dreg:s7], $0x6FFFF;
	_ =	strace $0x90000046  }
0xb3: {  	s29 =	simm.s32 $0x9;
	_ =	strace $0x80000048  }
0xb4: {  	_ =	swait.ge [sflag:s29], $0x1  }
0xb5: {  	[sflag:s29] =	ssyncadd.s32 $0xFFFFFFFF  }
0xb6: {  	_ =	strace $0x90000048  }
0xb7: {  	_ =	sfence  }
0xb8: {  	s30 =	sld [smem:$0x0];
	_ =	sdelay $0x2  }
0xb9: {  	s31 =	sshll.u32 s1, $0xD;
	s1 =	sshrl.u32 s1, $0x2  }
0xba: {  	s3 =	sand.u32 $0x4000, s31;
	s1 =	sadd.s32 s1, s30  }
0xbb: {  	s0 =	sor.u32 s3, s0;
	s1 =	sshll.u32 s1, $0x11  }
0xbc: {  	s0 =	sor.u32 s1, s0  }
0xbd: {  	s0 =	sadd.s32 $0x8F2B, s0  }
0xbe: {  	[sflag:s0] =	ssyncadd.remote.s32 $0x1  }
0xbf: {  	_ =	sfence.sel $0xFFFF  }
0xc0: {  	[dreg:$0x0] =	wrdreg $0xFFFFFFFF;
	(pc) =	sbr.abs _section_cstart, $3  }
0xc1: {  	[dreg:$0x1] =	wrdreg $0xFFFFFFFF  }
0xc2: {  	_ =	task.clear_ibuf [dreg:s7], $0x2FFFF;
	_ =	strace $0x9FFFFFFF  }
0xc3: {  	(tm) =	ssettm $0x7FFFFFFF  }
tec
execute0_lowered:
.L_overlay_start_1:
0x0: {  	(tag) =	ssettag $0x1  }
0x1: {  	s9 =	rddreg [dreg:$0x0]  }
0x2: {  	s6 =	rddreg [dreg:$0x1]  }
0x3: {  	s2 =	rddreg [dreg:$0x2]  }
0x4: {  	s0 =	rddreg [dreg:$0x3];
	s4 =	srdreg.scid  }
0x5: {  	s1 =	stileid.u32;
	s3 =	simm.s32 $0x0;
	s14 =	simm.s32 $0x80  }
0x6: {  	s15 =	simm.s32 $0x1480;
	s16 =	simm.s32 $0x1500;
	s17 =	simm.s32 $0x1580  }
0x7: {  	s18 =	simm.s32 $0x1600;
	s19 =	simm.s32 $0x1680;
	s20 =	simm.s32 $0x1700  }
0x8: {  	s21 =	simm.s32 $0x1780;
	s22 =	simm.s32 $0x1;
	s23 =	simm.s32 $0x0  }
0x9: {  	s7 =	sand.u32 $0x1, s4;
	s8 =	smul.u32 $0x1400, s1;
	[smem:$0x7FF] =	sst s3  }
0xa: {  	s4 =	sadd.s32 $0xC000, s6;
	s5 =	sadd.s32 $0xC200, s6;
	s13 =	smul.u32 $0x2800, s1  }
0xb: {  	s29 =	sshll.u32 s1, $0x6;
	s10 =	smul.u32 $0x14000, s7;
	s11 =	ssub.s32 $0x2, s7  }
0xc: {  	_ =	strace $0x80000047;
	s7 =	smul.u32 $0x28000, s7;
	s12 =	sshrl.u32 s11, $0x1  }
0xd: {  	s30 =	sadd.s32 s8, s2;
	s10 =	sadd.s32 s8, s10;
	s11 =	ssub.s32 s11, s12  }
0xe: {  	s13 =	sadd.s32 s13, s7;
	s12 =	simm.s32 $0x1800;
	s10 =	sshrl.u32 s10, $0x3  }
0xf: {  	s8 =	smax.u32 s11, $0x1;
	s31 =	sshrl.u32 s13, $0x3;
	s11 =	simm.s32 $0x2  }
0x10: {  	s13 =	simm.s32 $0x1400;
	s10 =	sadd.s32 s10, s6;
	s6 =	sor.u32 $0x1C02, s29  }
0x11: {  	s9 =	sadd.s32 s31, s9;
	s7 =	sadd.s32 $0xC600, s10;
	s10 =	sshrl.u32 s30, $0x3  }
.LBB2_1:
0x12: {  	[spmem:s10], [sflag:s6] =	dma.local [hbm:s5], $0x280  }
0x13: {  	_ =	swait.ge [sflag:s11], $0x280  }
0x14: {  	[sflag:s11] =	ssyncset.done $0x0  }
0x15: {  	[sflag:s11] =	ssyncadd.s32 $0xFFFFFD80  }
0x16: {  	[tilespmem:s12], [sflag:$0x2] =	stream.linear.gather [hbm4b:s4+s3], $0x400, $0x38;
	[tilespmem:$0x1C00] =	vst v63  }
0x17: {  	_ =	swait.ge [sflag:s11], $0x400  }
0x18: {  	[sflag:s11] =	ssyncset.done $0x0  }
0x19: {  	[sflag:s11] =	ssyncadd.s32 $0xFFFFFC00  }
0x1a: {  	s24 =	sadd.s32 $0x0, s9;
	[bflag:$0x0] =	sbarrier.arrive $0xFFFF  }
0x1b: {  	[tilespmem:s13], [sflag:$0x2] =	stream.linear.gather [hbm4b:s24+s3], $0x400, $0x38;
	[tilespmem:$0x1C00] =	vst v63  }
0x1c: {  	_ =	swait.ge [sflag:s11], $0x400  }
0x1d: {  	[sflag:s11] =	ssyncset.done $0x0  }
0x1e: {  	[sflag:s11] =	ssyncadd.s32 $0xFFFFFC00  }
0x1f: {  	[spmem:s2] =	stream.indirect.scatter.add.f32 [tilespmem:s12], [sflag:$0x1], $0x8, s13, s14, $0xb8;
	[tilespmem:$0x1C00] =	vst v63  }
0x20: {  	_ = 	snop  }
0x21: {  	[spmem:s2] =	stream.indirect.scatter.add.f32 [tilespmem:s12], [sflag:$0x1], $0x8, s15, s14, $0xb8;
	[tilespmem:$0x1C00] =	vst v63  }
0x22: {  	_ = 	snop  }
0x23: {  	[spmem:s2] =	stream.indirect.scatter.add.f32 [tilespmem:s12], [sflag:$0x1], $0x8, s16, s14, $0xb8;
	[tilespmem:$0x1C00] =	vst v63  }
0x24: {  	_ = 	snop  }
0x25: {  	[spmem:s2] =	stream.indirect.scatter.add.f32 [tilespmem:s12], [sflag:$0x1], $0x8, s17, s14, $0xb8;
	[tilespmem:$0x1C00] =	vst v63  }
0x26: {  	_ = 	snop  }
0x27: {  	[spmem:s2] =	stream.indirect.scatter.add.f32 [tilespmem:s12], [sflag:$0x1], $0x8, s18, s14, $0xb8;
	[tilespmem:$0x1C00] =	vst v63  }
0x28: {  	_ = 	snop  }
0x29: {  	[spmem:s2] =	stream.indirect.scatter.add.f32 [tilespmem:s12], [sflag:$0x1], $0x8, s19, s14, $0xb8;
	[tilespmem:$0x1C00] =	vst v63  }
0x2a: {  	_ = 	snop  }
0x2b: {  	[spmem:s2] =	stream.indirect.scatter.add.f32 [tilespmem:s12], [sflag:$0x1], $0x8, s20, s14, $0xb8;
	[tilespmem:$0x1C00] =	vst v63  }
0x2c: {  	_ = 	snop  }
0x2d: {  	[spmem:s2] =	stream.indirect.scatter.add.f32 [tilespmem:s12], [sflag:$0x1], $0x8, s21, s14, $0xb8;
	[tilespmem:$0x1C00] =	vst v63  }
0x2e: {  	_ =	swait.ge [sflag:s22], $0x400  }
0x2f: {  	[sflag:s22] =	ssyncset.done $0x0  }
0x30: {  	[sflag:s22] =	ssyncadd.s32 $0xFFFFFC00  }
0x31: {  	_ =	swait.ge [sflag:s22], $0x400  }
0x32: {  	[sflag:s22] =	ssyncset.done $0x0  }
0x33: {  	[sflag:s22] =	ssyncadd.s32 $0xFFFFFC00  }
0x34: {  	_ =	swait.ge [sflag:s22], $0x400  }
0x35: {  	[sflag:s22] =	ssyncset.done $0x0  }
0x36: {  	[sflag:s22] =	ssyncadd.s32 $0xFFFFFC00  }
0x37: {  	_ =	swait.ge [sflag:s22], $0x400  }
0x38: {  	[sflag:s22] =	ssyncset.done $0x0  }
0x39: {  	[sflag:s22] =	ssyncadd.s32 $0xFFFFFC00  }
0x3a: {  	_ =	swait.ge [sflag:s22], $0x400  }
0x3b: {  	[sflag:s22] =	ssyncset.done $0x0  }
0x3c: {  	[sflag:s22] =	ssyncadd.s32 $0xFFFFFC00  }
0x3d: {  	_ =	swait.ge [sflag:s22], $0x400  }
0x3e: {  	[sflag:s22] =	ssyncset.done $0x0  }
0x3f: {  	[sflag:s22] =	ssyncadd.s32 $0xFFFFFC00  }
0x40: {  	_ =	swait.ge [sflag:s22], $0x400  }
0x41: {  	[sflag:s22] =	ssyncset.done $0x0  }
0x42: {  	[sflag:s22] =	ssyncadd.s32 $0xFFFFFC00  }
0x43: {  	_ =	swait.ge [sflag:s22], $0x400  }
0x44: {  	s26 =	simm.s32 $0x100;
	s24 =	simm.s32 $0x80;
	[sflag:s22] =	ssyncset.done $0x0  }
.LBB2_2:
0x45: {  	s28 =	sadd.s32 s24, s9  }
0x46: {  	[sflag:s22] =	ssyncadd.s32 $0xFFFFFC00;
	s24 =	smov.u32 s26;
	s25 =	sadd.s32 $0x80, s26  }
0x47: {  	[tilespmem:s13], [sflag:$0x2] =	stream.linear.gather [hbm4b:s28+s3], $0x400, $0x38;
	[tilespmem:$0x1C00] =	vst v63  }
0x48: {  	p0 =	sne.s32 s26, $0x480;
	_ =	swait.ge [sflag:s11], $0x400  }
0x49: {  	[sflag:s11] =	ssyncset.done $0x0  }
0x4a: {  	[sflag:s11] =	ssyncadd.s32 $0xFFFFFC00  }
0x4b: {  	[spmem:s2] =	stream.indirect.scatter.add.f32 [tilespmem:s12], [sflag:$0x1], $0x8, s13, s14, $0xb8;
	[tilespmem:$0x1C00] =	vst v63  }
0x4c: {  	_ = 	snop  }
0x4d: {  	[spmem:s2] =	stream.indirect.scatter.add.f32 [tilespmem:s12], [sflag:$0x1], $0x8, s15, s14, $0xb8;
	[tilespmem:$0x1C00] =	vst v63  }
0x4e: {  	_ = 	snop  }
0x4f: {  	[spmem:s2] =	stream.indirect.scatter.add.f32 [tilespmem:s12], [sflag:$0x1], $0x8, s16, s14, $0xb8;
	[tilespmem:$0x1C00] =	vst v63  }
0x50: {  	_ = 	snop  }
0x51: {  	[spmem:s2] =	stream.indirect.scatter.add.f32 [tilespmem:s12], [sflag:$0x1], $0x8, s17, s14, $0xb8;
	[tilespmem:$0x1C00] =	vst v63  }
0x52: {  	_ = 	snop  }
0x53: {  	[spmem:s2] =	stream.indirect.scatter.add.f32 [tilespmem:s12], [sflag:$0x1], $0x8, s18, s14, $0xb8;
	[tilespmem:$0x1C00] =	vst v63  }
0x54: {  	_ = 	snop  }
0x55: {  	[spmem:s2] =	stream.indirect.scatter.add.f32 [tilespmem:s12], [sflag:$0x1], $0x8, s19, s14, $0xb8;
	[tilespmem:$0x1C00] =	vst v63  }
0x56: {  	_ = 	snop  }
0x57: {  	[spmem:s2] =	stream.indirect.scatter.add.f32 [tilespmem:s12], [sflag:$0x1], $0x8, s20, s14, $0xb8;
	[tilespmem:$0x1C00] =	vst v63  }
0x58: {  	_ = 	snop  }
0x59: {  	[spmem:s2] =	stream.indirect.scatter.add.f32 [tilespmem:s12], [sflag:$0x1], $0x8, s21, s14, $0xb8;
	[tilespmem:$0x1C00] =	vst v63  }
0x5a: {  	_ =	swait.ge [sflag:s22], $0x400  }
0x5b: {  	[sflag:s22] =	ssyncset.done $0x0  }
0x5c: {  	[sflag:s22] =	ssyncadd.s32 $0xFFFFFC00  }
0x5d: {  	_ =	swait.ge [sflag:s22], $0x400  }
0x5e: {  	[sflag:s22] =	ssyncset.done $0x0  }
0x5f: {  	[sflag:s22] =	ssyncadd.s32 $0xFFFFFC00  }
0x60: {  	_ =	swait.ge [sflag:s22], $0x400  }
0x61: {  	[sflag:s22] =	ssyncset.done $0x0  }
0x62: {  	[sflag:s22] =	ssyncadd.s32 $0xFFFFFC00  }
0x63: {  	_ =	swait.ge [sflag:s22], $0x400  }
0x64: {  	[sflag:s22] =	ssyncset.done $0x0  }
0x65: {  	[sflag:s22] =	ssyncadd.s32 $0xFFFFFC00  }
0x66: {  	_ =	swait.ge [sflag:s22], $0x400  }
0x67: {  	[sflag:s22] =	ssyncset.done $0x0  }
0x68: {  	[sflag:s22] =	ssyncadd.s32 $0xFFFFFC00  }
0x69: {  	_ =	swait.ge [sflag:s22], $0x400  }
0x6a: {  	[sflag:s22] =	ssyncset.done $0x0  }
0x6b: {  	[sflag:s22] =	ssyncadd.s32 $0xFFFFFC00  }
.Ltmp0:
0x6c: {  	_ =	swait.ge [sflag:s22], $0x400;
	(pc) =	sbr.rel @p0 .LBB2_2-.Ltmp0, $4  }
0x6d: {  	[sflag:s22] =	ssyncset.done $0x0  }
0x6e: {  	[sflag:s22] =	ssyncadd.s32 $0xFFFFFC00  }
0x6f: {  	_ =	swait.ge [sflag:s22], $0x400  }
0x70: {  	s26 =	smov.u32 s25;
	[sflag:s22] =	ssyncset.done $0x0  }
0x71: {  	s24 =	sadd.s32 s24, s9;
	[sflag:s22] =	ssyncadd.s32 $0xFFFFFC00  }
0x72: {  	[tilespmem:s13], [sflag:$0x2] =	stream.linear.gather [hbm4b:s24+s3], $0x400, $0x38;
	[tilespmem:$0x1C00] =	vst v63  }
0x73: {  	_ =	swait.ge [sflag:s11], $0x400  }
0x74: {  	[sflag:s11] =	ssyncset.done $0x0  }
0x75: {  	[sflag:s11] =	ssyncadd.s32 $0xFFFFFC00  }
0x76: {  	[spmem:s2] =	stream.indirect.scatter.add.f32 [tilespmem:s12], [sflag:$0x1], $0x8, s13, s14, $0xb8;
	[tilespmem:$0x1C00] =	vst v63  }
0x77: {  	_ = 	snop  }
0x78: {  	[spmem:s2] =	stream.indirect.scatter.add.f32 [tilespmem:s12], [sflag:$0x1], $0x8, s15, s14, $0xb8;
	[tilespmem:$0x1C00] =	vst v63  }
0x79: {  	_ = 	snop  }
0x7a: {  	[spmem:s2] =	stream.indirect.scatter.add.f32 [tilespmem:s12], [sflag:$0x1], $0x8, s16, s14, $0xb8;
	[tilespmem:$0x1C00] =	vst v63  }
0x7b: {  	_ = 	snop  }
0x7c: {  	[spmem:s2] =	stream.indirect.scatter.add.f32 [tilespmem:s12], [sflag:$0x1], $0x8, s17, s14, $0xb8;
	[tilespmem:$0x1C00] =	vst v63  }
0x7d: {  	_ = 	snop  }
0x7e: {  	[spmem:s2] =	stream.indirect.scatter.add.f32 [tilespmem:s12], [sflag:$0x1], $0x8, s18, s14, $0xb8;
	[tilespmem:$0x1C00] =	vst v63  }
0x7f: {  	_ = 	snop  }
0x80: {  	[spmem:s2] =	stream.indirect.scatter.add.f32 [tilespmem:s12], [sflag:$0x1], $0x8, s19, s14, $0xb8;
	[tilespmem:$0x1C00] =	vst v63  }
0x81: {  	_ = 	snop  }
0x82: {  	[spmem:s2] =	stream.indirect.scatter.add.f32 [tilespmem:s12], [sflag:$0x1], $0x8, s20, s14, $0xb8;
	[tilespmem:$0x1C00] =	vst v63  }
0x83: {  	_ = 	snop  }
0x84: {  	[spmem:s2] =	stream.indirect.scatter.add.f32 [tilespmem:s12], [sflag:$0x1], $0x8, s21, s14, $0xb8;
	[tilespmem:$0x1C00] =	vst v63  }
0x85: {  	_ =	swait.ge [sflag:s22], $0x400  }
0x86: {  	[sflag:s22] =	ssyncset.done $0x0  }
0x87: {  	[sflag:s22] =	ssyncadd.s32 $0xFFFFFC00  }
0x88: {  	_ =	swait.ge [sflag:s22], $0x400  }
0x89: {  	[sflag:s22] =	ssyncset.done $0x0  }
0x8a: {  	[sflag:s22] =	ssyncadd.s32 $0xFFFFFC00  }
0x8b: {  	_ =	swait.ge [sflag:s22], $0x400  }
0x8c: {  	[sflag:s22] =	ssyncset.done $0x0  }
0x8d: {  	[sflag:s22] =	ssyncadd.s32 $0xFFFFFC00  }
0x8e: {  	_ =	swait.ge [sflag:s22], $0x400  }
0x8f: {  	[sflag:s22] =	ssyncset.done $0x0  }
0x90: {  	[sflag:s22] =	ssyncadd.s32 $0xFFFFFC00  }
0x91: {  	_ =	swait.ge [sflag:s22], $0x400  }
0x92: {  	[sflag:s22] =	ssyncset.done $0x0  }
0x93: {  	[sflag:s22] =	ssyncadd.s32 $0xFFFFFC00  }
0x94: {  	_ =	swait.ge [sflag:s22], $0x400  }
0x95: {  	[sflag:s22] =	ssyncset.done $0x0  }
0x96: {  	[sflag:s22] =	ssyncadd.s32 $0xFFFFFC00  }
0x97: {  	_ =	swait.ge [sflag:s22], $0x400  }
0x98: {  	[sflag:s22] =	ssyncset.done $0x0  }
0x99: {  	[sflag:s22] =	ssyncadd.s32 $0xFFFFFC00  }
0x9a: {  	_ =	swait.ge [sflag:s22], $0x400  }
0x9b: {  	s23 =	sadd.s32 $0x1, s23;
	[sflag:s22] =	ssyncset.done $0x0  }
0x9c: {  	p0 =	sne.s32 s23, s8;
	[sflag:s22] =	ssyncadd.s32 $0xFFFFFC00  }
.Ltmp1:
0x9d: {  	[bflag:$0x0] =	sbarrier.arrive $0xFFFF;
	(pc) =	sbr.rel @p0 .LBB2_1-.Ltmp1, $4  }
0x9e: {  	[hbm:s7], [sflag:s6] =	dma.local [spmem:s10], $0x280  }
0x9f: {  	_ =	swait.ge [sflag:s11], $0x280  }
0xa0: {  	[sflag:s11] =	ssyncset.done $0x0  }
0xa1: {  	[sflag:s11] =	ssyncadd.s32 $0xFFFFFD80  }
0xa2: {  	_ =	sfence.sel $0x180000  }
0xa3: {  	[bflag:$0x0] =	sbarrier.arrive $0xFFFF  }
0xa4: {  	p0 =	sne.s32 s1, $0x0;
	_ =	strace $0x90000047  }
0xa5: {  	s0 =	sadd.s32 @!p0 $0x100000, s0;
	[bflag:$0x2] =	sbarrier.arrive $0xFFFF  }
0xa6: {  	[sflag:s0] =	ssyncadd.tile.s32 @!p0 $0x1;
	_ =	shalt  }
.Lfunc_end2:
_tile_overlayer_lowered:
.L_overlay_start_2:
0xa7: {  	(tag) =	ssettag $0x2  }
0xa8: {  	s0 =	rddreg [dreg:$0x0];
	s2 =	stileid.u32  }
0xa9: {  	s1 =	rddreg [dreg:$0x1];
	p0 =	sne.s32 s2, $0x0  }
0xaa: {  	s3 =	rddreg [dreg:$0x2];
	[bflag:$0x3] =	sbarrier.arrive $0xFFFF;
	s2 =	simm.s32 @!p0 $0x1C02  }
0xab: {  	[timem:s3], [sflag:s2] =	dma.local @!p0 [hbm:s0], s1  }
0xac: {  	s0 =	simm.s32 @!p0 $0x2  }
0xad: {  	_ =	swait.ge @!p0 [sflag:s0], s1  }
0xae: {  	s1 =	ssub.s32 @!p0 $0x0, s1;
	[sflag:s0] =	ssyncset.done @!p0 $0x0  }
0xaf: {  	[sflag:s0] =	ssyncadd.s32 @!p0 s1  }
0xb0: {  	[bflag:$0x3] =	sbarrier.arrive $0xFFFF  }
0xb1: {  	_ =	shalt  }

// kernel: kernel.9.cloned.1.call-start
scs
__scs_entry_jumppad:
0x0: {  	(pc) =	sbr.rel $0x88, $3  }
0x1: {  	(tag) =	ssettag $0x0;
	lr =	simm.s32 $0x1  }
0x2: {  	[smem:$0x3F9C] =	sst lr;
	_ =	strace $0xD0000000  }
0x3: {  	_ = 	snop  }
0x4: {  	_ = 	snop  }
0x5: {  	_ = 	snop  }
0x6: {  	_ = 	snop  }
0x7: {  	_ = 	snop  }
__scs_overlays_trampoline_lowered:
0x8: {  	[smem:$0x3FAB] =	sst s0  }
0x9: {  	[smem:$0x3FAC] =	sst s1  }
0xa: {  	[smem:$0x3FAD] =	sst s2  }
0xb: {  	[smem:$0x3FAE] =	sst s3  }
0xc: {  	[smem:$0x3FAF] =	sst s4  }
0xd: {  	[smem:$0x3FB0] =	sst s5  }
0xe: {  	[smem:$0x3FB1] =	sst s6  }
0xf: {  	[smem:$0x3FB2] =	sst s7  }
0x10: {  	[smem:$0x3FB3] =	sst s8  }
0x11: {  	[smem:$0x3FB4] =	sst s9;
	s0 =	simm.s32 @!p0 $0x0  }
0x12: {  	s1 =	sld [smem:$0x3F9A];
	s0 =	simm.s32 @p0 $0x1  }
0x13: {  	[smem:$0x3FB5] =	sst s0;
	s0 =	simm.s32 @!p1 $0x0  }
0x14: {  	s2 =	sld [smem:$0x3F99];
	s0 =	simm.s32 @p1 $0x1  }
0x15: {  	[smem:$0x3FB6] =	sst s0;
	s0 =	simm.s32 @!p2 $0x0  }
0x16: {  	s3 =	sld [smem:$0x3FDB];
	s0 =	simm.s32 @p2 $0x1  }
0x17: {  	s4 =	simm.s32 $0x1BF5;
	[smem:$0x3FB8] =	sst s0  }
0x18: {  	s0 =	sld [smem:$0x3F9B];
	_ =	swait.ge [sflag:s4], $0x0  }
0x19: {  	s7 =	sld [smem:$0x3F9C]  }
0x1a: {  	s8 =	sadd.s32 $0xFFFFE003, lr  }
0x1b: {  	s9 =	sadd.s32 $0xFFFFFEF7, lr;
	s5 =	simm.s32 $0xFFFFFFFF;
	p2 =	slt.u32 s8, $0xFFFFF086  }
0x1c: {  	p1 =	slt.u32 s9, $0xF7A;
	s5 =	simm.s32 @!p2 $0x0  }
0x1d: {  	s5 =	simm.s32 @p1 $0x1;
	p0 =	seq.s32 s7, s2  }
0x1e: {  	s7 =	smul.u32 @!p0 $0xF7A, s2;
	p2 =	seq.s32 @!p0 s5, $0x0  }
0x1f: {  	s9 =	smul.u32 $0xF7A, s1;
	s8 =	simm.s32 @!p0 $0x1BF5;
	p2 =	por !p2, p0  }
0x20: {  	[sflag:s8] =	ssyncset.s32 @!p0 $0xFFFFF086;
	s6 =	sadd.s32 @!p0 s3, s7;
	s7 =	simm.s32 @!p0 $0x108  }
0x21: {  	s3 =	sadd.s32 s3, s9;
	s6 =	sadd.s32 @!p0 $0x88, s6;
	s7 =	simm.s32 @p2 $0x1082  }
0x22: {  	[simem:s7], [sflag:s8] =	dma.local @!p0 [hbm:s6], $0xF7A  }
0x23: {  	s9 =	sor.u32 $0xD0000000, s2;
	s6 =	simm.s32 $0x108;
	_ =	swait.ge @!p0 [sflag:s8], $0x0  }
0x24: {  	s3 =	sadd.s32 $0x88, s3;
	s6 =	simm.s32 @!p1 $0x1082;
	[sflag:s4] =	ssyncset.s32 $0xFFFFF086  }
0x25: {  	[simem:s6], [sflag:s4] =	dma.local [hbm:s3], $0xF7A  }
0x26: {  	[smem:$0x3F9C] =	sst s1;
	(tag) =	ssettag s2;
	_ =	strace s9  }
0x27: {  	s1 =	sld [smem:$0x3FAC]  }
0x28: {  	s2 =	sld [smem:$0x3FAD]  }
0x29: {  	s4 =	sld [smem:$0x3FAF]  }
0x2a: {  	p0 =	seq.s32 s5, $0x0;
	s5 =	sld [smem:$0x3FB0]  }
0x2b: {  	s6 =	sld [smem:$0x3FB1]  }
0x2c: {  	s7 =	sld [smem:$0x3FB2]  }
0x2d: {  	s3 =	simm.s32 $0x108;
	s8 =	sld [smem:$0x3FB3]  }
0x2e: {  	s3 =	simm.s32 @!p0 $0x1082;
	s9 =	sld [smem:$0x3FB4]  }
0x2f: {  	lr =	sadd.s32 s0, s3;
	s0 =	sld [smem:$0x3FAB]  }
0x30: {  	s3 =	sld [smem:$0x3FAE]  }
0x31: {  	[smem:$0x3FB7] =	sst s10  }
0x32: {  	s10 =	sld [smem:$0x3FB5];
	_ =	sdelay $0x3  }
0x33: {  	p0 =	seq.s32 s10, $0x1;
	s10 =	sld [smem:$0x3FB7];
	_ =	sdelay $0x3  }
0x34: {  	[smem:$0x3FB7] =	sst s10  }
0x35: {  	s10 =	sld [smem:$0x3FB6];
	_ =	sdelay $0x3  }
0x36: {  	p1 =	seq.s32 s10, $0x1;
	s10 =	sld [smem:$0x3FB7];
	_ =	sdelay $0x3  }
0x37: {  	[smem:$0x3FB7] =	sst s10  }
0x38: {  	s10 =	sld [smem:$0x3FB8]  }
0x39: {  	_ = 	snop;
	(pc) =	sbr.ind lr, $3  }
0x3a: {  	_ = 	snop  }
0x3b: {  	_ = 	snop  }
0x3c: {  	p2 =	seq.s32 s10, $0x1;
	s10 =	sld [smem:$0x3FB7]  }
0x3d: {  	_ =	shalt  }
0x3e: {  	_ =	shalt  }
0x3f: {  	_ =	shalt  }
0x40: {  	_ =	shalt  }
0x41: {  	_ =	shalt  }
0x42: {  	_ =	shalt  }
0x43: {  	_ =	shalt  }
0x44: {  	_ =	shalt  }
0x45: {  	_ =	shalt  }
0x46: {  	_ =	shalt  }
0x47: {  	_ =	shalt  }
0x48: {  	_ =	shalt  }
0x49: {  	_ =	shalt  }
0x4a: {  	_ =	shalt  }
0x4b: {  	_ =	shalt  }
0x4c: {  	_ =	shalt  }
0x4d: {  	_ =	shalt  }
0x4e: {  	_ =	shalt  }
0x4f: {  	_ =	shalt  }
0x50: {  	_ =	shalt  }
0x51: {  	_ =	shalt  }
0x52: {  	_ =	shalt  }
0x53: {  	_ =	shalt  }
0x54: {  	_ =	shalt  }
0x55: {  	_ =	shalt  }
0x56: {  	_ =	shalt  }
0x57: {  	_ =	shalt  }
0x58: {  	_ =	shalt  }
0x59: {  	_ =	shalt  }
0x5a: {  	_ =	shalt  }
0x5b: {  	_ =	shalt  }
0x5c: {  	_ =	shalt  }
0x5d: {  	_ =	shalt  }
0x5e: {  	_ =	shalt  }
0x5f: {  	_ =	shalt  }
0x60: {  	_ =	shalt  }
0x61: {  	_ =	shalt  }
0x62: {  	_ =	shalt  }
0x63: {  	_ =	shalt  }
0x64: {  	_ =	shalt  }
0x65: {  	_ =	shalt  }
0x66: {  	_ =	shalt  }
0x67: {  	_ =	shalt  }
0x68: {  	_ =	shalt  }
0x69: {  	_ =	shalt  }
0x6a: {  	_ =	shalt  }
0x6b: {  	_ =	shalt  }
0x6c: {  	_ =	shalt  }
0x6d: {  	_ =	shalt  }
0x6e: {  	_ =	shalt  }
0x6f: {  	_ =	shalt  }
0x70: {  	_ =	shalt  }
0x71: {  	_ =	shalt  }
0x72: {  	_ =	shalt  }
0x73: {  	_ =	shalt  }
0x74: {  	_ =	shalt  }
0x75: {  	_ =	shalt  }
0x76: {  	_ =	shalt  }
0x77: {  	_ =	shalt  }
0x78: {  	_ =	shalt  }
0x79: {  	_ =	shalt  }
0x7a: {  	_ =	shalt  }
0x7b: {  	_ =	shalt  }
0x7c: {  	_ =	shalt  }
0x7d: {  	_ =	shalt  }
0x7e: {  	_ =	shalt  }
0x7f: {  	_ =	shalt  }
0x80: {  	_ =	shalt  }
0x81: {  	_ =	shalt  }
0x82: {  	_ =	shalt  }
0x83: {  	_ =	shalt  }
0x84: {  	_ =	shalt  }
0x85: {  	_ =	shalt  }
0x86: {  	_ =	shalt  }
0x87: {  	_ =	shalt  }
.Lfunc_end0:
.L_simem_size_0:
called_computation.1_lowered:
.L_overlay_start_0:
0x88: {  	s2 =	sld [smem:$0x3FD9]  }
0x89: {  	s3 =	sld [smem:$0x3FFE];
	_ =	sdelay $0x1  }
0x8a: {  	s1 =	srdreg.scid  }
0x8b: {  	s0 =	sand.u32 $0x1, s1  }
0x8c: {  	s17 =	sshll.u32 s0, $0xA;
	s2 =	sadd.s32 s3, s2  }
0x8d: {  	s2 =	sadd.s32 s2, s17  }
0x8e: {  	[smem:$0x3FC3] =	sst s2  }
0x8f: {  	_ = 	snop  }
0x90: {  	s2 =	sld [smem:$0x3FD0];
	(tm) =	ssettm $0x1  }
0x91: {  	s18 =	sld [smem:$0x3FFB];
	_ =	sdelay $0x3  }
0x92: {  	_ =	strace s18  }
0x93: {  	s3 =	sld [smem:$0x3FFC];
	_ =	sdelay $0x3  }
0x94: {  	_ =	strace s3  }
0x95: {  	s3 =	sld [smem:$0x3FFD];
	_ =	sdelay $0x3  }
0x96: {  	_ =	strace s3  }
0x97: {  	_ =	strace $0x8FFFFFFF  }
0x98: {  	s19 =	sld [smem:$0x3FDB];
	_ =	sdelay $0x1  }
0x99: {  	s4 =	simm.s32 $_scs_section_size  }
0x9a: {  	s5 =	simm.s32 $_size__tile_overlayer_lowered;
	s6 =	simm.s32 $_tile_overlayer_lowered  }
0x9b: {  	s22 =	simm.s32 $0x1BFF;
	s21 =	sshll.u32 s6, $0x1;
	s3 =	sadd.s32 s4, s19  }
0x9c: {  	s7 =	simm.s32 $0x0;
	s20 =	sshll.u32 s5, $0x1;
	s5 =	sadd.s32 s21, s3  }
0x9d: {  	[timem:s7], [sflag:s22] =	dma.local [hbm:s5], s20  }
0x9e: {  	_ =	swait.ge [sflag:s22], s20  }
0x9f: {  	s4 =	ssub.s32 $0x0, s20;
	[sflag:s22] =	ssyncset.done $0x0  }
0xa0: {  	[sflag:s22] =	ssyncadd.s32 s4;
	_ =	sdelay $0x1  }
0xa1: {  	s23 =	simm.s32 $0x1B8B  }
0xa2: {  	_ =	swait.ge [sflag:s23], $0x1  }
0xa3: {  	[sflag:s23] =	ssyncset.done $0x0  }
0xa4: {  	s25 =	simm.s32 $0x1B8E;
	s24 =	sld [smem:$0x3FFE];
	[sflag:s23] =	ssyncadd.s32 $0xFFFFFFFF  }
0xa5: {  	s26 =	simm.s32 $execute0_lowered;
	[smem:$0x3FD2] =	sst s25  }
0xa6: {  	s5 =	sshll.u32 s26, $0x1;
	_ =	strace $0x80000049;
	[dreg:$0x1] =	wrdreg $0xFFFFFFFF  }
0xa7: {  	s28 =	simm.s32 $_size_execute0_lowered;
	s3 =	sadd.s32 s3, s5;
	[dreg:$0x0] =	wrdreg $0x0  }
0xa8: {  	s5 =	sshll.u32 s28, $0x1;
	[dreg:$0x2] =	wrdreg s3  }
0xa9: {  	[dreg:$0x3] =	wrdreg s5  }
0xaa: {  	[dreg:$0x4] =	wrdreg $0xC0  }
0xab: {  	_ =	task [dreg:s7], $0x5FFFF  }
0xac: {  	[dreg:$0x1] =	wrdreg $0xFFFFFFFF  }
0xad: {  	[dreg:$0x0] =	wrdreg $0x60  }
0xae: {  	[dreg:$0x2] =	wrdreg s24  }
0xaf: {  	[dreg:$0x3] =	wrdreg s2  }
0xb0: {  	[dreg:$0x4] =	wrdreg $0x0  }
0xb1: {  	[dreg:$0x5] =	wrdreg $0x9  }
0xb2: {  	_ =	task.clear_ibuf [dreg:s7], $0x6FFFF;
	_ =	strace $0x90000049  }
0xb3: {  	s29 =	simm.s32 $0x9;
	_ =	strace $0x8000004B  }
0xb4: {  	_ =	swait.ge [sflag:s29], $0x1  }
0xb5: {  	[sflag:s29] =	ssyncadd.s32 $0xFFFFFFFF  }
0xb6: {  	_ =	strace $0x9000004B  }
0xb7: {  	_ =	sfence  }
0xb8: {  	s30 =	sld [smem:$0x0];
	_ =	sdelay $0x2  }
0xb9: {  	s31 =	sshll.u32 s1, $0xD;
	s1 =	sshrl.u32 s1, $0x2  }
0xba: {  	s3 =	sand.u32 $0x4000, s31;
	s1 =	sadd.s32 s1, s30  }
0xbb: {  	s0 =	sor.u32 s3, s0;
	s1 =	sshll.u32 s1, $0x11  }
0xbc: {  	s0 =	sor.u32 s1, s0  }
0xbd: {  	s0 =	sadd.s32 $0x8F2B, s0  }
0xbe: {  	[sflag:s0] =	ssyncadd.remote.s32 $0x1  }
0xbf: {  	_ =	sfence.sel $0xFFFF  }
0xc0: {  	[dreg:$0x0] =	wrdreg $0xFFFFFFFF;
	(pc) =	sbr.abs _section_cstart, $3  }
0xc1: {  	[dreg:$0x1] =	wrdreg $0xFFFFFFFF  }
0xc2: {  	_ =	task.clear_ibuf [dreg:s7], $0x2FFFF;
	_ =	strace $0x9FFFFFFF  }
0xc3: {  	(tm) =	ssettm $0x7FFFFFFF  }
tec
execute0_lowered:
.L_overlay_start_1:
0x0: {  	(tag) =	ssettag $0x1  }
0x1: {  	s0 =	rddreg [dreg:$0x0]  }
0x2: {  	s2 =	rddreg [dreg:$0x1];
	s1 =	srdreg.scid  }
0x3: {  	s3 =	rddreg [dreg:$0x2];
	s12 =	stileid.u32;
	s4 =	simm.s32 $0x0  }
0x4: {  	s28 =	simm.s32 $0x19000;
	s29 =	simm.s32 $0x1;
	s30 =	simm.s32 $0x2  }
0x5: {  	s31 =	simm.s32 $0x0;
	s1 =	sand.u32 $0x1, s1;
	s6 =	smul.u32 $0x14000, s12  }
0x6: {  	[smem:$0x7FF] =	sst s4;
	s8 =	sadd.s32 $0x11600, s0;
	s10 =	sadd.s32 $0x2000, s0  }
0x7: {  	s7 =	smul.u32 $0x50000, s12;
	s11 =	sshll.u32 s12, $0x6;
	s19 =	sshll.u32 s12, $0xB  }
0x8: {  	s16 =	sshll.u32 s12, $0x9;
	s5 =	smul.u32 $0x140000, s1;
	_ =	strace $0x8000004A  }
0x9: {  	s18 =	ssub.s32 $0x2, s1;
	p0 =	seq.s32 s1, $0x1;
	s23 =	sadd.s32 s8, s19  }
0xa: {  	s24 =	sor.u32 $0x8000, s16;
	s25 =	sadd.s32 s16, s10;
	s26 =	sadd.s32 s16, s8  }
0xb: {  	s9 =	sshrl.u32 s18, $0x1;
	s7 =	sshrl.u32 s7, $0x2;
	s14 =	sadd.s32 s8, s24  }
0xc: {  	s1 =	sadd.s32 s10, s24;
	[dreg:$0x4] =	wrdreg s23;
	s16 =	sadd.s32 $0x8080, s25  }
0xd: {  	s17 =	sadd.s32 $0x8080, s26;
	s25 =	simm.s32 $0x80;
	s26 =	simm.s32 $0x15000  }
0xe: {  	s5 =	sadd.s32 s6, s5;
	s13 =	ssub.s32 s18, s9;
	[dreg:$0x6] =	wrdreg s14  }
0xf: {  	s9 =	sadd.s32 s10, s19;
	[dreg:$0x7] =	wrdreg s1;
	s14 =	sadd.s32 $0x80, s23  }
0x10: {  	s18 =	simm.s32 $0x4;
	s23 =	simm.s32 $0x14000;
	s6 =	sshrl.u32 s5, $0x3  }
0x11: {  	s5 =	sadd.s32 $0xC000, s0;
	s13 =	smax.u32 s13, $0x1;
	[dreg:$0x5] =	wrdreg s9  }
.Ltmp0:
0x12: {  	s0 =	sadd.s32 s6, s0;
	s6 =	sadd.s32 s7, s3;
	(pc) =	sbr.rel .LBB2_1-.Ltmp0, $4  }
0x13: {  	s15 =	sadd.s32 $0x80, s9;
	s7 =	sor.u32 $0x1C04, s11;
	s11 =	sadd.s32 $0x4000, s6  }
0x14: {  	s20 =	sadd.s32 $0x8000, s6;
	s21 =	sadd.s32 $0xC000, s6;
	s0 =	sadd.s32 $0x1B600, s0  }
0x15: {  	s22 =	sadd.s32 $0x10000, s6;
	[dreg:$0x8] =	wrdreg s0;
	s19 =	sshrl.u32 s11, $0x3  }
0x16: {  	s20 =	sshrl.u32 s20, $0x3;
	s21 =	sshrl.u32 s21, $0x3;
	s22 =	sshrl.u32 s22, $0x3  }
.LBB2_6:
0x17: {  	_ =	swait.ge [sflag:s30], $0x4000  }
0x18: {  	[sflag:s30] =	ssyncset.done $0x0  }
0x19: {  	s31 =	sadd.s32 $0x1, s31;
	[sflag:s30] =	ssyncadd.s32 $0xFFFFC000  }
0x1a: {  	p1 =	sne.s32 s31, s13;
	[bflag:$0x0] =	sbarrier.arrive $0xFFFF  }
.Ltmp1:
0x1b: {  	s1 =	rddreg [dreg:$0x8];
	(pc) =	sbr.rel @!p1 .LBB2_7-.Ltmp1, $4  }
0x1c: {  	[hbm:s1], [sflag:s7] =	dma.local [spmem:s0], $0x2800  }
0x1d: {  	_ =	swait.ge [sflag:s18], $0x2800  }
0x1e: {  	[sflag:s18] =	ssyncset.done $0x0  }
0x1f: {  	[sflag:s18] =	ssyncadd.s32 $0xFFFFD800  }
.LBB2_1:
0x20: {  	s0 =	sshrl.u32 s6, $0x3  }
0x21: {  	[spmem:s0], [sflag:s7] =	dma.local [hbm:s5], $0x800  }
0x22: {  	_ =	swait.ge [sflag:s18], $0x800  }
0x23: {  	[sflag:s18] =	ssyncset.done $0x0  }
0x24: {  	[sflag:s18] =	ssyncadd.s32 $0xFFFFF800  }
0x25: {  	[spmem:s19], [sflag:s7] =	dma.local [hbm:s5], $0x800  }
0x26: {  	_ =	swait.ge [sflag:s18], $0x800  }
0x27: {  	[sflag:s18] =	ssyncset.done $0x0  }
0x28: {  	[sflag:s18] =	ssyncadd.s32 $0xFFFFF800  }
0x29: {  	[spmem:s20], [sflag:s7] =	dma.local [hbm:s5], $0x800  }
0x2a: {  	_ =	swait.ge [sflag:s18], $0x800  }
0x2b: {  	[sflag:s18] =	ssyncset.done $0x0  }
0x2c: {  	[sflag:s18] =	ssyncadd.s32 $0xFFFFF800  }
0x2d: {  	[spmem:s21], [sflag:s7] =	dma.local [hbm:s5], $0x800  }
0x2e: {  	_ =	swait.ge [sflag:s18], $0x800  }
0x2f: {  	[sflag:s18] =	ssyncset.done $0x0  }
0x30: {  	[sflag:s18] =	ssyncadd.s32 $0xFFFFF800  }
0x31: {  	[spmem:s22], [sflag:s7] =	dma.local [hbm:s5], $0x800  }
.Ltmp2:
0x32: {  	_ =	swait.ge [sflag:s18], $0x800;
	(pc) =	sbr.rel @!p0 .LBB2_2-.Ltmp2, $4  }
0x33: {  	[sflag:s18] =	ssyncset.done $0x0  }
0x34: {  	[sflag:s18] =	ssyncadd.s32 $0xFFFFF800  }
0x35: {  	[bflag:$0x0] =	sbarrier.arrive $0xFFFF  }
0x36: {  	s1 =	simm.s32 $0x0  }
0x37: {  	s8 =	rddreg [dreg:$0x6]  }
0x38: {  	[tilespmem:s23], [sflag:$0x4] =	stream.linear.gather [hbm4b:s8+s1], $0x400, $0x38;
	[tilespmem:$0x1D000] =	vst v63  }
0x39: {  	_ =	swait.ge [sflag:s18], $0x400  }
0x3a: {  	[sflag:s18] =	ssyncset.done $0x0  }
0x3b: {  	s9 =	simm.s32 $0x14800;
	s24 =	rddreg [dreg:$0x7];
	[sflag:s18] =	ssyncadd.s32 $0xFFFFFC00  }
0x3c: {  	[tilespmem:s9], [sflag:$0x4] =	stream.linear.gather [hbm4b:s24+s1], $0x400, $0x38;
	[tilespmem:$0x1D000] =	vst v63  }
0x3d: {  	_ =	swait.ge [sflag:s18], $0x400  }
0x3e: {  	[sflag:s18] =	ssyncset.done $0x0  }
0x3f: {  	s10 =	simm.s32 $0x1;
	s11 =	simm.s32 $0x0;
	[sflag:s18] =	ssyncadd.s32 $0xFFFFFC00  }
0x40: {  	[tilespmem:s26], [sflag:$0x1] =	stream.indirect.gather [hbm4b:s2+s25], $0x80, s23, s25, $0xb8;
	[tilespmem:$0x1D000] =	vst v63  }
.LBB2_5:
0x41: {  	p1 =	seq.s32 s11, $0x0  }
0x42: {  	s8 =	simm.s32 @!p1 $0x2  }
0x43: {  	p2 =	seq.s32 @!p1 s11, $0x180;
	_ =	swait.ge @!p1 [sflag:s8], $0x4000  }
0x44: {  	s24 =	sand.u32 $0x1, s10;
	p2 =	por p1, !p2;
	[sflag:s8] =	ssyncset.done @!p1 $0x0  }
0x45: {  	[sflag:s8] =	ssyncadd.s32 @!p1 $0xFFFFC000;
	s8 =	sshll.u32 @p2 s24, $0xA  }
0x46: {  	s12 =	sadd.s32 @p2 s11, s17;
	s9 =	sor.u32 @p2 $0x14000, s8  }
0x47: {  	[tilespmem:s9], [sflag:$0x3] =	stream.linear.gather @p2 [hbm4b:s12+s4], $0x400, $0x38;
	[tilespmem:$0x1D000] =	vst v63  }
0x48: {  	s8 =	sor.u32 @p2 $0x14800, s8;
	s9 =	sadd.s32 @p2 s11, s16  }
0x49: {  	[tilespmem:s8], [sflag:$0x3] =	stream.linear.gather @p2 [hbm4b:s9+s4], $0x400, $0x38;
	[tilespmem:$0x1D000] =	vst v63  }
0x4a: {  	s8 =	sand.u32 $0x400, s1  }
0x4b: {  	s12 =	sor.u32 $0x14080, s8  }
0x4c: {  	[tilespmem:s28], [sflag:$0x1] =	stream.indirect.gather [hbm4b:s2+s25], $0x80, s12, s25, $0xb8;
	[tilespmem:$0x1D000] =	vst v63  }
0x4d: {  	_ =	swait.ge [sflag:s29], $0x4000  }
0x4e: {  	[sflag:s29] =	ssyncset.done $0x0  }
0x4f: {  	s12 =	sor.u32 $0x14800, s8;
	[sflag:s29] =	ssyncadd.s32 $0xFFFFC000  }
0x50: {  	[spmem:s3] =	stream.indirect.scatter.add.f32 [tilespmem:s26], [sflag:$0x2], $0x80, s12, s25, $0xb8;
	[tilespmem:$0x1D000] =	vst v63  }
0x51: {  	_ =	swait.ge [sflag:s30], $0x4000  }
0x52: {  	[sflag:s30] =	ssyncset.done $0x0  }
0x53: {  	s12 =	sor.u32 $0x14100, s8;
	[sflag:s30] =	ssyncadd.s32 $0xFFFFC000  }
0x54: {  	[tilespmem:s26], [sflag:$0x1] =	stream.indirect.gather [hbm4b:s2+s25], $0x80, s12, s25, $0xb8;
	[tilespmem:$0x1D000] =	vst v63  }
0x55: {  	_ =	swait.ge [sflag:s29], $0x4000  }
0x56: {  	[sflag:s29] =	ssyncset.done $0x0  }
0x57: {  	s12 =	sor.u32 $0x14880, s8;
	[sflag:s29] =	ssyncadd.s32 $0xFFFFC000  }
0x58: {  	[spmem:s3] =	stream.indirect.scatter.add.f32 [tilespmem:s28], [sflag:$0x2], $0x80, s12, s25, $0xb8;
	[tilespmem:$0x1D000] =	vst v63  }
0x59: {  	_ =	swait.ge [sflag:s30], $0x4000  }
0x5a: {  	[sflag:s30] =	ssyncset.done $0x0  }
0x5b: {  	s12 =	sor.u32 $0x14180, s8;
	[sflag:s30] =	ssyncadd.s32 $0xFFFFC000  }
0x5c: {  	[tilespmem:s28], [sflag:$0x1] =	stream.indirect.gather [hbm4b:s2+s25], $0x80, s12, s25, $0xb8;
	[tilespmem:$0x1D000] =	vst v63  }
0x5d: {  	_ =	swait.ge [sflag:s29], $0x4000  }
0x5e: {  	[sflag:s29] =	ssyncset.done $0x0  }
0x5f: {  	s12 =	sor.u32 $0x14900, s8;
	[sflag:s29] =	ssyncadd.s32 $0xFFFFC000  }
0x60: {  	[spmem:s3] =	stream.indirect.scatter.add.f32 [tilespmem:s26], [sflag:$0x2], $0x80, s12, s25, $0xb8;
	[tilespmem:$0x1D000] =	vst v63  }
0x61: {  	_ =	swait.ge [sflag:s30], $0x4000  }
0x62: {  	[sflag:s30] =	ssyncset.done $0x0  }
0x63: {  	s12 =	sor.u32 $0x14200, s8;
	[sflag:s30] =	ssyncadd.s32 $0xFFFFC000  }
0x64: {  	[tilespmem:s26], [sflag:$0x1] =	stream.indirect.gather [hbm4b:s2+s25], $0x80, s12, s25, $0xb8;
	[tilespmem:$0x1D000] =	vst v63  }
0x65: {  	_ =	swait.ge [sflag:s29], $0x4000  }
0x66: {  	[sflag:s29] =	ssyncset.done $0x0  }
0x67: {  	s12 =	sor.u32 $0x14980, s8;
	[sflag:s29] =	ssyncadd.s32 $0xFFFFC000  }
0x68: {  	[spmem:s3] =	stream.indirect.scatter.add.f32 [tilespmem:s28], [sflag:$0x2], $0x80, s12, s25, $0xb8;
	[tilespmem:$0x1D000] =	vst v63  }
0x69: {  	_ =	swait.ge [sflag:s30], $0x4000  }
0x6a: {  	[sflag:s30] =	ssyncset.done $0x0  }
0x6b: {  	s12 =	sor.u32 $0x14280, s8;
	[sflag:s30] =	ssyncadd.s32 $0xFFFFC000  }
0x6c: {  	[tilespmem:s28], [sflag:$0x1] =	stream.indirect.gather [hbm4b:s2+s25], $0x80, s12, s25, $0xb8;
	[tilespmem:$0x1D000] =	vst v63  }
0x6d: {  	_ =	swait.ge [sflag:s29], $0x4000  }
0x6e: {  	[sflag:s29] =	ssyncset.done $0x0  }
0x6f: {  	s12 =	sor.u32 $0x14A00, s8;
	[sflag:s29] =	ssyncadd.s32 $0xFFFFC000  }
0x70: {  	[spmem:s3] =	stream.indirect.scatter.add.f32 [tilespmem:s26], [sflag:$0x2], $0x80, s12, s25, $0xb8;
	[tilespmem:$0x1D000] =	vst v63  }
0x71: {  	_ =	swait.ge [sflag:s30], $0x4000  }
0x72: {  	[sflag:s30] =	ssyncset.done $0x0  }
0x73: {  	s12 =	sor.u32 $0x14300, s8;
	[sflag:s30] =	ssyncadd.s32 $0xFFFFC000  }
0x74: {  	[tilespmem:s26], [sflag:$0x1] =	stream.indirect.gather [hbm4b:s2+s25], $0x80, s12, s25, $0xb8;
	[tilespmem:$0x1D000] =	vst v63  }
0x75: {  	_ =	swait.ge [sflag:s29], $0x4000  }
0x76: {  	[sflag:s29] =	ssyncset.done $0x0  }
0x77: {  	s12 =	sor.u32 $0x14A80, s8;
	[sflag:s29] =	ssyncadd.s32 $0xFFFFC000  }
0x78: {  	[spmem:s3] =	stream.indirect.scatter.add.f32 [tilespmem:s28], [sflag:$0x2], $0x80, s12, s25, $0xb8;
	[tilespmem:$0x1D000] =	vst v63  }
0x79: {  	_ =	swait.ge [sflag:s30], $0x4000  }
0x7a: {  	[sflag:s30] =	ssyncset.done $0x0  }
0x7b: {  	s12 =	sor.u32 $0x14380, s8;
	[sflag:s30] =	ssyncadd.s32 $0xFFFFC000  }
0x7c: {  	[tilespmem:s28], [sflag:$0x1] =	stream.indirect.gather [hbm4b:s2+s25], $0x80, s12, s25, $0xb8;
	[tilespmem:$0x1D000] =	vst v63  }
0x7d: {  	_ =	swait.ge [sflag:s29], $0x4000  }
0x7e: {  	[sflag:s29] =	ssyncset.done $0x0  }
0x7f: {  	s12 =	sor.u32 $0x14B00, s8;
	[sflag:s29] =	ssyncadd.s32 $0xFFFFC000  }
0x80: {  	[spmem:s3] =	stream.indirect.scatter.add.f32 [tilespmem:s26], [sflag:$0x2], $0x80, s12, s25, $0xb8;
	[tilespmem:$0x1D000] =	vst v63  }
0x81: {  	p1 =	por @!p1 $0x1, $0x1;
	_ =	swait.ge [sflag:s30], $0x4000  }
0x82: {  	p1 =	por @p2 $0x0, $0x0;
	[sflag:s30] =	ssyncset.done $0x0  }
0x83: {  	s9 =	simm.s32 @!p1 $0x3;
	[sflag:s30] =	ssyncadd.s32 $0xFFFFC000  }
0x84: {  	_ =	swait.ge @!p1 [sflag:s9], $0x400  }
0x85: {  	[sflag:s9] =	ssyncset.done @!p1 $0x0  }
0x86: {  	[sflag:s9] =	ssyncadd.s32 @!p1 $0xFFFFFC00  }
0x87: {  	_ =	swait.ge @!p1 [sflag:s9], $0x400  }
0x88: {  	[sflag:s9] =	ssyncset.done @!p1 $0x0  }
0x89: {  	s11 =	sadd.s32 $0x80, s11;
	[sflag:s9] =	ssyncadd.s32 @!p1 $0xFFFFFC00;
	s9 =	sshll.u32 @!p1 s24, $0xA  }
0x8a: {  	s12 =	simm.s32 @!p1 $0x80;
	s24 =	simm.s32 @!p1 $0x15000;
	s9 =	sor.u32 @!p1 $0x14000, s9  }
0x8b: {  	[tilespmem:s24], [sflag:$0x1] =	stream.indirect.gather @!p1 [hbm4b:s2+s12], $0x80, s9, s12, $0xb8;
	[tilespmem:$0x1D000] =	vst v63  }
0x8c: {  	p1 =	sne.s32 s11, $0x200  }
.Ltmp3:
0x8d: {  	_ = 	snop;
	(pc) =	sbr.rel @p1 .LBB2_5-.Ltmp3, $4  }
0x8e: {  	_ =	swait.ge [sflag:s29], $0x4000  }
0x8f: {  	s10 =	sadd.s32 $0x1, s10;
	s8 =	sor.u32 $0x380, s8;
	[sflag:s29] =	ssyncset.done $0x0  }
0x90: {  	s1 =	sadd.s32 $0x400, s1;
	s8 =	sor.u32 $0x14800, s8;
	[sflag:s29] =	ssyncadd.s32 $0xFFFFC000  }
0x91: {  	[spmem:s3] =	stream.indirect.scatter.add.f32 [tilespmem:s28], [sflag:$0x2], $0x80, s8, s25, $0xb8;
	[tilespmem:$0x1D000] =	vst v63  }
.Ltmp4:
0x92: {  	_ = 	snop;
	(pc) =	sbr.rel .LBB2_6-.Ltmp4, $1  }
0x93: {  	_ =	sdelay $0x3  }
.LBB2_2:
0x94: {  	s8 =	rddreg [dreg:$0x4]  }
0x95: {  	[tilespmem:s23], [sflag:$0x4] =	stream.linear.gather [hbm4b:s8+s1], $0x400, $0x38;
	[tilespmem:$0x1D000] =	vst v63  }
0x96: {  	_ =	swait.ge [sflag:s18], $0x400  }
0x97: {  	[sflag:s18] =	ssyncset.done $0x0  }
0x98: {  	s9 =	simm.s32 $0x14800;
	s24 =	rddreg [dreg:$0x5];
	[sflag:s18] =	ssyncadd.s32 $0xFFFFFC00  }
0x99: {  	[tilespmem:s9], [sflag:$0x4] =	stream.linear.gather [hbm4b:s24+s1], $0x400, $0x38;
	[tilespmem:$0x1D000] =	vst v63  }
0x9a: {  	_ =	swait.ge [sflag:s18], $0x400  }
0x9b: {  	[sflag:s18] =	ssyncset.done $0x0  }
0x9c: {  	s10 =	simm.s32 $0x1;
	s11 =	simm.s32 $0x0;
	[sflag:s18] =	ssyncadd.s32 $0xFFFFFC00  }
0x9d: {  	[tilespmem:s26], [sflag:$0x1] =	stream.indirect.gather [hbm4b:s2+s25], $0x80, s23, s25, $0xb8;
	[tilespmem:$0x1D000] =	vst v63  }
.LBB2_3:
0x9e: {  	p1 =	seq.s32 s11, $0x0  }
0x9f: {  	s8 =	simm.s32 @!p1 $0x2  }
0xa0: {  	p2 =	seq.s32 @!p1 s11, $0x780;
	_ =	swait.ge @!p1 [sflag:s8], $0x4000  }
0xa1: {  	s24 =	sand.u32 $0x1, s10;
	p2 =	por p1, !p2;
	[sflag:s8] =	ssyncset.done @!p1 $0x0  }
0xa2: {  	[sflag:s8] =	ssyncadd.s32 @!p1 $0xFFFFC000;
	s8 =	sshll.u32 @p2 s24, $0xA  }
0xa3: {  	s12 =	sadd.s32 @p2 s11, s14;
	s9 =	sor.u32 @p2 $0x14000, s8  }
0xa4: {  	[tilespmem:s9], [sflag:$0x3] =	stream.linear.gather @p2 [hbm4b:s12+s4], $0x400, $0x38;
	[tilespmem:$0x1D000] =	vst v63  }
0xa5: {  	s8 =	sor.u32 @p2 $0x14800, s8;
	s9 =	sadd.s32 @p2 s11, s15  }
0xa6: {  	[tilespmem:s8], [sflag:$0x3] =	stream.linear.gather @p2 [hbm4b:s9+s4], $0x400, $0x38;
	[tilespmem:$0x1D000] =	vst v63  }
0xa7: {  	s8 =	sand.u32 $0x400, s1  }
0xa8: {  	s12 =	sor.u32 $0x14080, s8  }
0xa9: {  	[tilespmem:s28], [sflag:$0x1] =	stream.indirect.gather [hbm4b:s2+s25], $0x80, s12, s25, $0xb8;
	[tilespmem:$0x1D000] =	vst v63  }
0xaa: {  	_ =	swait.ge [sflag:s29], $0x4000  }
0xab: {  	[sflag:s29] =	ssyncset.done $0x0  }
0xac: {  	s12 =	sor.u32 $0x14800, s8;
	[sflag:s29] =	ssyncadd.s32 $0xFFFFC000  }
0xad: {  	[spmem:s3] =	stream.indirect.scatter.add.f32 [tilespmem:s26], [sflag:$0x2], $0x80, s12, s25, $0xb8;
	[tilespmem:$0x1D000] =	vst v63  }
0xae: {  	_ =	swait.ge [sflag:s30], $0x4000  }
0xaf: {  	[sflag:s30] =	ssyncset.done $0x0  }
0xb0: {  	s12 =	sor.u32 $0x14100, s8;
	[sflag:s30] =	ssyncadd.s32 $0xFFFFC000  }
0xb1: {  	[tilespmem:s26], [sflag:$0x1] =	stream.indirect.gather [hbm4b:s2+s25], $0x80, s12, s25, $0xb8;
	[tilespmem:$0x1D000] =	vst v63  }
0xb2: {  	_ =	swait.ge [sflag:s29], $0x4000  }
0xb3: {  	[sflag:s29] =	ssyncset.done $0x0  }
0xb4: {  	s12 =	sor.u32 $0x14880, s8;
	[sflag:s29] =	ssyncadd.s32 $0xFFFFC000  }
0xb5: {  	[spmem:s3] =	stream.indirect.scatter.add.f32 [tilespmem:s28], [sflag:$0x2], $0x80, s12, s25, $0xb8;
	[tilespmem:$0x1D000] =	vst v63  }
0xb6: {  	_ =	swait.ge [sflag:s30], $0x4000  }
0xb7: {  	[sflag:s30] =	ssyncset.done $0x0  }
0xb8: {  	s12 =	sor.u32 $0x14180, s8;
	[sflag:s30] =	ssyncadd.s32 $0xFFFFC000  }
0xb9: {  	[tilespmem:s28], [sflag:$0x1] =	stream.indirect.gather [hbm4b:s2+s25], $0x80, s12, s25, $0xb8;
	[tilespmem:$0x1D000] =	vst v63  }
0xba: {  	_ =	swait.ge [sflag:s29], $0x4000  }
0xbb: {  	[sflag:s29] =	ssyncset.done $0x0  }
0xbc: {  	s12 =	sor.u32 $0x14900, s8;
	[sflag:s29] =	ssyncadd.s32 $0xFFFFC000  }
0xbd: {  	[spmem:s3] =	stream.indirect.scatter.add.f32 [tilespmem:s26], [sflag:$0x2], $0x80, s12, s25, $0xb8;
	[tilespmem:$0x1D000] =	vst v63  }
0xbe: {  	_ =	swait.ge [sflag:s30], $0x4000  }
0xbf: {  	[sflag:s30] =	ssyncset.done $0x0  }
0xc0: {  	s12 =	sor.u32 $0x14200, s8;
	[sflag:s30] =	ssyncadd.s32 $0xFFFFC000  }
0xc1: {  	[tilespmem:s26], [sflag:$0x1] =	stream.indirect.gather [hbm4b:s2+s25], $0x80, s12, s25, $0xb8;
	[tilespmem:$0x1D000] =	vst v63  }
0xc2: {  	_ =	swait.ge [sflag:s29], $0x4000  }
0xc3: {  	[sflag:s29] =	ssyncset.done $0x0  }
0xc4: {  	s12 =	sor.u32 $0x14980, s8;
	[sflag:s29] =	ssyncadd.s32 $0xFFFFC000  }
0xc5: {  	[spmem:s3] =	stream.indirect.scatter.add.f32 [tilespmem:s28], [sflag:$0x2], $0x80, s12, s25, $0xb8;
	[tilespmem:$0x1D000] =	vst v63  }
0xc6: {  	_ =	swait.ge [sflag:s30], $0x4000  }
0xc7: {  	[sflag:s30] =	ssyncset.done $0x0  }
0xc8: {  	s12 =	sor.u32 $0x14280, s8;
	[sflag:s30] =	ssyncadd.s32 $0xFFFFC000  }
0xc9: {  	[tilespmem:s28], [sflag:$0x1] =	stream.indirect.gather [hbm4b:s2+s25], $0x80, s12, s25, $0xb8;
	[tilespmem:$0x1D000] =	vst v63  }
0xca: {  	_ =	swait.ge [sflag:s29], $0x4000  }
0xcb: {  	[sflag:s29] =	ssyncset.done $0x0  }
0xcc: {  	s12 =	sor.u32 $0x14A00, s8;
	[sflag:s29] =	ssyncadd.s32 $0xFFFFC000  }
0xcd: {  	[spmem:s3] =	stream.indirect.scatter.add.f32 [tilespmem:s26], [sflag:$0x2], $0x80, s12, s25, $0xb8;
	[tilespmem:$0x1D000] =	vst v63  }
0xce: {  	_ =	swait.ge [sflag:s30], $0x4000  }
0xcf: {  	[sflag:s30] =	ssyncset.done $0x0  }
0xd0: {  	s12 =	sor.u32 $0x14300, s8;
	[sflag:s30] =	ssyncadd.s32 $0xFFFFC000  }
0xd1: {  	[tilespmem:s26], [sflag:$0x1] =	stream.indirect.gather [hbm4b:s2+s25], $0x80, s12, s25, $0xb8;
	[tilespmem:$0x1D000] =	vst v63  }
0xd2: {  	_ =	swait.ge [sflag:s29], $0x4000  }
0xd3: {  	[sflag:s29] =	ssyncset.done $0x0  }
0xd4: {  	s12 =	sor.u32 $0x14A80, s8;
	[sflag:s29] =	ssyncadd.s32 $0xFFFFC000  }
0xd5: {  	[spmem:s3] =	stream.indirect.scatter.add.f32 [tilespmem:s28], [sflag:$0x2], $0x80, s12, s25, $0xb8;
	[tilespmem:$0x1D000] =	vst v63  }
0xd6: {  	_ =	swait.ge [sflag:s30], $0x4000  }
0xd7: {  	[sflag:s30] =	ssyncset.done $0x0  }
0xd8: {  	s12 =	sor.u32 $0x14380, s8;
	[sflag:s30] =	ssyncadd.s32 $0xFFFFC000  }
0xd9: {  	[tilespmem:s28], [sflag:$0x1] =	stream.indirect.gather [hbm4b:s2+s25], $0x80, s12, s25, $0xb8;
	[tilespmem:$0x1D000] =	vst v63  }
0xda: {  	_ =	swait.ge [sflag:s29], $0x4000  }
0xdb: {  	[sflag:s29] =	ssyncset.done $0x0  }
0xdc: {  	s12 =	sor.u32 $0x14B00, s8;
	[sflag:s29] =	ssyncadd.s32 $0xFFFFC000  }
0xdd: {  	[spmem:s3] =	stream.indirect.scatter.add.f32 [tilespmem:s26], [sflag:$0x2], $0x80, s12, s25, $0xb8;
	[tilespmem:$0x1D000] =	vst v63  }
0xde: {  	p1 =	por @!p1 $0x1, $0x1;
	_ =	swait.ge [sflag:s30], $0x4000  }
0xdf: {  	p1 =	por @p2 $0x0, $0x0;
	[sflag:s30] =	ssyncset.done $0x0  }
0xe0: {  	s9 =	simm.s32 @!p1 $0x3;
	[sflag:s30] =	ssyncadd.s32 $0xFFFFC000  }
0xe1: {  	_ =	swait.ge @!p1 [sflag:s9], $0x400  }
0xe2: {  	[sflag:s9] =	ssyncset.done @!p1 $0x0  }
0xe3: {  	[sflag:s9] =	ssyncadd.s32 @!p1 $0xFFFFFC00  }
0xe4: {  	_ =	swait.ge @!p1 [sflag:s9], $0x400  }
0xe5: {  	[sflag:s9] =	ssyncset.done @!p1 $0x0  }
0xe6: {  	s11 =	sadd.s32 $0x80, s11;
	[sflag:s9] =	ssyncadd.s32 @!p1 $0xFFFFFC00;
	s9 =	sshll.u32 @!p1 s24, $0xA  }
0xe7: {  	s12 =	simm.s32 @!p1 $0x80;
	s24 =	simm.s32 @!p1 $0x15000;
	s9 =	sor.u32 @!p1 $0x14000, s9  }
0xe8: {  	[tilespmem:s24], [sflag:$0x1] =	stream.indirect.gather @!p1 [hbm4b:s2+s12], $0x80, s9, s12, $0xb8;
	[tilespmem:$0x1D000] =	vst v63  }
0xe9: {  	p1 =	seq.s32 s11, $0x800  }
.Ltmp5:
0xea: {  	_ = 	snop;
	(pc) =	sbr.rel @!p1 .LBB2_3-.Ltmp5, $4  }
0xeb: {  	_ =	swait.ge [sflag:s29], $0x4000  }
0xec: {  	s10 =	sadd.s32 $0x1, s10;
	s8 =	sor.u32 $0x380, s8;
	[sflag:s29] =	ssyncset.done $0x0  }
0xed: {  	s1 =	sadd.s32 $0x400, s1;
	s8 =	sor.u32 $0x14800, s8;
	[sflag:s29] =	ssyncadd.s32 $0xFFFFC000  }
0xee: {  	[spmem:s3] =	stream.indirect.scatter.add.f32 [tilespmem:s28], [sflag:$0x2], $0x80, s8, s25, $0xb8;
	[tilespmem:$0x1D000] =	vst v63  }
.Ltmp6:
0xef: {  	_ = 	snop;
	(pc) =	sbr.rel .LBB2_6-.Ltmp6, $1  }
0xf0: {  	_ =	sdelay $0x3  }
.LBB2_7:
0xf1: {  	_ =	sfence.sel $0x180000  }
0xf2: {  	[bflag:$0x0] =	sbarrier.arrive $0xFFFF  }
0xf3: {  	_ =	strace $0x9000004A  }
0xf4: {  	s0 =	stileid.u32;
	[bflag:$0x2] =	sbarrier.arrive $0xFFFF  }
0xf5: {  	p0 =	sne.s32 s0, $0x0;
	s0 =	rddreg [dreg:$0x3]  }
0xf6: {  	s0 =	sadd.s32 @!p0 $0x100000, s0  }
0xf7: {  	[sflag:s0] =	ssyncadd.tile.s32 @!p0 $0x1;
	_ =	shalt  }
.Lfunc_end2:
_tile_overlayer_lowered:
.L_overlay_start_2:
0xf8: {  	(tag) =	ssettag $0x2  }
0xf9: {  	s0 =	rddreg [dreg:$0x0];
	s2 =	stileid.u32  }
0xfa: {  	s1 =	rddreg [dreg:$0x1];
	p0 =	sne.s32 s2, $0x0  }
0xfb: {  	s3 =	rddreg [dreg:$0x2];
	[bflag:$0x3] =	sbarrier.arrive $0xFFFF;
	s2 =	simm.s32 @!p0 $0x1C04  }
0xfc: {  	[timem:s3], [sflag:s2] =	dma.local @!p0 [hbm:s0], s1  }
0xfd: {  	s0 =	simm.s32 @!p0 $0x4  }
0xfe: {  	_ =	swait.ge @!p0 [sflag:s0], s1  }
0xff: {  	s1 =	ssub.s32 @!p0 $0x0, s1;
	[sflag:s0] =	ssyncset.done @!p0 $0x0  }
0x100: {  	[sflag:s0] =	ssyncadd.s32 @!p0 s1  }
0x101: {  	[bflag:$0x3] =	sbarrier.arrive $0xFFFF  }
0x102: {  	_ =	shalt  }

</sc_bundles>
